<compile_context>
chip_gen: v7x
topology: tpu7x:2x2x1
jax: 0.10.2.dev20260603
libtpu: 0.0.44.dev20260713+nightly
codegen_flags: <defaults>
</compile_context>

<pallas_src>
import functools

import jax
import jax.numpy as jnp
from jax import lax
from jax.experimental import pallas as pl
from jax.experimental.pallas import tpu as pltpu
from jax.experimental.pallas import tpu_sc as plsc

N = 10000
E = 320000
D = 128

NC = 2
NS = 16
NW = NC * NS

NPAD = 10240
CH = 128
NCHUNK = 80
EPW = CH * NCHUNK
EPAD = NW * EPW
RPS = NPAD // NS
DUMP = NPAD - 1


IB = 40
NBLK = NCHUNK // IB


def _sc_agg_body(h_hbm, src3_hbm, dst3_hbm, z128_hbm, agg_out,
                 sidx_blk, didx_blk, rows0, rows1,
                 gsem0, gsem1, ssem0, ssem1, acc):
  c = lax.axis_index("c")
  s = lax.axis_index("s")
  wid = c * NS + s
  r0 = s * RPS
  rows = (rows0, rows1)
  gsem = (gsem0, gsem1)
  ssem = (ssem0, ssem1)

  pltpu.sync_copy(z128_hbm.at[pl.ds(r0, RPS), :], acc.at[pl.ds(r0, RPS), :])
  plsc.subcore_barrier()

  def gather_start(j, b):
    pltpu.async_copy(h_hbm.at[sidx_blk.at[j]], rows[b], gsem[b])

  def gather_wait(j, b):
    pltpu.make_async_copy(h_hbm.at[sidx_blk.at[j]], rows[b], gsem[b]).wait()

  def scat_start(j, b):
    pltpu.async_copy(rows[b], acc.at[didx_blk.at[j]], ssem[b], add=True)

  def scat_wait(j, b):
    pltpu.make_async_copy(rows[b], acc.at[didx_blk.at[j]], ssem[b]).wait()

  @pl.loop(0, NBLK)
  def _(blk):
    pltpu.sync_copy(src3_hbm.at[wid, pl.ds(blk * IB, IB)], sidx_blk)
    pltpu.sync_copy(dst3_hbm.at[wid, pl.ds(blk * IB, IB)], didx_blk)
    gather_start(0, 0)

    @pl.loop(0, IB // 2)
    def _(p):
      for b in range(2):
        j = 2 * p + b
        gather_wait(j, b)
        scat_start(j, b)

        @pl.when(j >= 1)
        def _():
          scat_wait(j - 1, 1 - b)

        @pl.when(j + 1 < IB)
        def _():
          gather_start(j + 1, 1 - b)

    scat_wait(IB - 1, 1)

  plsc.subcore_barrier()
  pltpu.sync_copy(acc.at[pl.ds(r0, RPS), :], agg_out.at[c, pl.ds(r0, RPS), :])


_sc_agg = pl.kernel(
    _sc_agg_body,
    out_type=jax.ShapeDtypeStruct((NC, NPAD, D), jnp.float32),
    mesh=plsc.VectorSubcoreMesh(core_axis_name="c", subcore_axis_name="s",
                                num_cores=NC, num_subcores=NS),
    scratch_types=[
        pltpu.VMEM((IB, CH), jnp.int32),
        pltpu.VMEM((IB, CH), jnp.int32),
        pltpu.VMEM((CH, D), jnp.float32),
        pltpu.VMEM((CH, D), jnp.float32),
        pltpu.SemaphoreType.DMA,
        pltpu.SemaphoreType.DMA,
        pltpu.SemaphoreType.DMA,
        pltpu.SemaphoreType.DMA,
        pltpu.VMEM_SHARED((NPAD, D), jnp.float32),
    ],
)


def _sc_count_body(dst3_hbm, ones_hbm, z128_hbm, cnt_out, didx_all, ones,
                   ssem, acc):
  c = lax.axis_index("c")
  s = lax.axis_index("s")
  wid = c * NS + s
  r0 = s * RPS

  pltpu.sync_copy(dst3_hbm.at[wid], didx_all)
  pltpu.sync_copy(z128_hbm.at[pl.ds(r0, RPS), :], acc.at[pl.ds(r0, RPS), :])
  pltpu.sync_copy(ones_hbm, ones)
  plsc.subcore_barrier()

  @pl.loop(0, NCHUNK)
  def _(i):
    pltpu.async_copy(ones, acc.at[didx_all.at[i]], ssem, add=True)

    @pl.when(i > 0)
    def _():
      pltpu.make_async_copy(ones, acc.at[didx_all.at[i]], ssem).wait()

  pltpu.make_async_copy(ones, acc.at[didx_all.at[0]], ssem).wait()
  plsc.subcore_barrier()
  pltpu.sync_copy(acc.at[pl.ds(r0, RPS), :], cnt_out.at[c, pl.ds(r0, RPS), :])


_sc_count = pl.kernel(
    _sc_count_body,
    out_type=jax.ShapeDtypeStruct((NC, NPAD, D), jnp.float32),
    mesh=plsc.VectorSubcoreMesh(core_axis_name="c", subcore_axis_name="s",
                                num_cores=NC, num_subcores=NS),
    scratch_types=[
        pltpu.VMEM((NCHUNK, CH), jnp.int32),
        pltpu.VMEM((CH, D), jnp.float32),
        pltpu.SemaphoreType.DMA,
        pltpu.VMEM_SHARED((NPAD, D), jnp.float32),
    ],
)

RB = 2048


def _tc_layer_body(relu, agg_ref, cnt_ref, h_ref, wl_ref, bl_ref, wr_ref,
                   out_ref):
  a = agg_ref[0] + agg_ref[1]
  cnt = cnt_ref[0, :, :8] + cnt_ref[1, :, :8]
  inv = 1.0 / jnp.maximum(cnt[:, :1], 1.0)
  m = a * inv
  dn = (((1,), (1,)), ((), ()))
  y = (lax.dot_general(m, wl_ref[...], dn, preferred_element_type=jnp.float32)
       + lax.dot_general(h_ref[...], wr_ref[...], dn,
                         preferred_element_type=jnp.float32)
       + bl_ref[...])
  out_ref[...] = jnp.maximum(y, 0.0) if relu else y


def _tc_layer(relu, agg2, cnt2, h, Wl, bl, Wr):
  return pl.pallas_call(
      functools.partial(_tc_layer_body, relu),
      grid=(NPAD // RB,),
      in_specs=[
          pl.BlockSpec((NC, RB, D), lambda i: (0, i, 0)),
          pl.BlockSpec((NC, RB, D), lambda i: (0, i, 0)),
          pl.BlockSpec((RB, D), lambda i: (i, 0)),
          pl.BlockSpec((D, D), lambda i: (0, 0)),
          pl.BlockSpec((1, D), lambda i: (0, 0)),
          pl.BlockSpec((D, D), lambda i: (0, 0)),
      ],
      out_specs=pl.BlockSpec((RB, D), lambda i: (i, 0)),
      out_shape=jax.ShapeDtypeStruct((NPAD, D), jnp.float32),
  )(agg2, cnt2, h, Wl, bl.reshape(1, D), Wr)


def kernel(x, edge_index, Wl0, bl0, Wr0, Wl1, bl1, Wr1, Wl2, bl2, Wr2):
  epad = EPAD - E
  src = jnp.concatenate(
      [edge_index[0].astype(jnp.int32),
       jnp.arange(epad, dtype=jnp.int32) % N])
  dst = jnp.concatenate(
      [edge_index[1].astype(jnp.int32), jnp.full((epad,), DUMP, jnp.int32)])
  src = src.reshape(NW, NCHUNK, CH)
  dst = dst.reshape(NW, NCHUNK, CH)
  h = jnp.pad(x, ((0, NPAD - N), (0, 0)))
  z128 = jnp.zeros((NPAD, D), jnp.float32)
  ones128 = jnp.ones((CH, D), jnp.float32)

  cnt2 = _sc_count(dst, ones128, z128)
  agg2 = _sc_agg(h, src, dst, z128)
  h = _tc_layer(True, agg2, cnt2, h, Wl0, bl0, Wr0)
  agg2 = _sc_agg(h, src, dst, z128)
  h = _tc_layer(True, agg2, cnt2, h, Wl1, bl1, Wr1)
  agg2 = _sc_agg(h, src, dst, z128)
  return _tc_layer(False, agg2, cnt2, h, Wl2, bl2, Wr2)[:N]

# --- scband reference (transcript-rebuilt; emitter-appended) ---
"""Pipeline reference for scband-graph-sage-44641890074988 (READ-ONLY COPY).

The authoritative reference and input builder live on the scoring server;
editing this copy changes nothing except your own understanding.
"""

import jax, jax.numpy as jnp
import numpy as np

N_NODES = 10000
N_EDGES = 320000
D_IN = 128
D_HID = 128
D_OUT = 128


def _sage_conv(x, edge_index, Wl, bl, Wr):
    # PyG SAGEConv (aggr='mean', root_weight=True):
    #   out = lin_l(mean_{j in N(i)} x_j) + lin_r(x_i)
    # edge_index[0] = source nodes, edge_index[1] = destination nodes
    n = x.shape[0]
    src = edge_index[0]
    dst = edge_index[1]
    msgs = jnp.take(x, src, axis=0)                      # gather  [E, d]
    agg = jax.ops.segment_sum(msgs, dst, num_segments=n)  # scatter-add [N, d]
    cnt = jax.ops.segment_sum(jnp.ones((edge_index.shape[1],), x.dtype), dst, num_segments=n)
    cnt = jnp.clip(cnt, 1.0, None)
    agg = agg / cnt[:, None]
    return agg @ Wl.T + bl + x @ Wr.T


def setup_inputs(seed: int = 0) -> dict:
    key = jax.random.key(seed)
    ks = jax.random.split(key, 12)
    x = jax.random.normal(ks[0], (N_NODES, D_IN), dtype=jnp.float32)
    edge_index = jax.random.randint(ks[1], (2, N_EDGES), 0, N_NODES)
    s_in = 1.0 / np.sqrt(D_IN)
    s_hid = 1.0 / np.sqrt(D_HID)
    params = {
        'Wl0': jax.random.normal(ks[2], (D_HID, D_IN), dtype=jnp.float32) * s_in,
        'bl0': jnp.zeros((D_HID,), dtype=jnp.float32),
        'Wr0': jax.random.normal(ks[3], (D_HID, D_IN), dtype=jnp.float32) * s_in,
        'Wl1': jax.random.normal(ks[4], (D_HID, D_HID), dtype=jnp.float32) * s_hid,
        'bl1': jnp.zeros((D_HID,), dtype=jnp.float32),
        'Wr1': jax.random.normal(ks[5], (D_HID, D_HID), dtype=jnp.float32) * s_hid,
        'Wl2': jax.random.normal(ks[6], (D_OUT, D_HID), dtype=jnp.float32) * s_hid,
        'bl2': jnp.zeros((D_OUT,), dtype=jnp.float32),
        'Wr2': jax.random.normal(ks[7], (D_OUT, D_HID), dtype=jnp.float32) * s_hid,
    }
    return {'x': x, 'edge_index': edge_index, **params}


def reference(x, edge_index, Wl0, bl0, Wr0, Wl1, bl1, Wr1, Wl2, bl2, Wr2):
    # dropout p=0.0 -> identity
    h = jax.nn.relu(_sage_conv(x, edge_index, Wl0, bl0, Wr0))
    h = jax.nn.relu(_sage_conv(h, edge_index, Wl1, bl1, Wr1))
    out = _sage_conv(h, edge_index, Wl2, bl2, Wr2)
    return out

if __name__ == "__main__":
    import jax
    _d = setup_inputs()
    print(jax.jit(kernel)(*tuple(_d.values())))

</pallas_src>

<mosaic_0001>
#map = affine_map<(d0, d1) -> (0, 0)>
#map1 = affine_map<(d0, d1) -> (0, 0, 0)>
module attributes {stable_mosaic.version = 14 : i64} {
  func.func @_sc_agg_body(%arg0: i32, %arg1: i32, %arg2: memref<10240x128xf32, #tpu.memory_space<hbm>>, %arg3: memref<32x80x128xi32, #tpu.memory_space<hbm>>, %arg4: memref<32x80x128xi32, #tpu.memory_space<hbm>>, %arg5: memref<10240x128xf32, #tpu.memory_space<hbm>>, %arg6: memref<2x10240x128xf32, #tpu.memory_space<hbm>>, %arg7: memref<40x128xi32, #tpu.memory_space<vmem>>, %arg8: memref<40x128xi32, #tpu.memory_space<vmem>>, %arg9: memref<128x128xf32, #tpu.memory_space<vmem>>, %arg10: memref<128x128xf32, #tpu.memory_space<vmem>>, %arg11: memref<!tpu.dma_semaphore, #tpu.memory_space<semaphore_mem>>, %arg12: memref<!tpu.dma_semaphore, #tpu.memory_space<semaphore_mem>>, %arg13: memref<!tpu.dma_semaphore, #tpu.memory_space<semaphore_mem>>, %arg14: memref<!tpu.dma_semaphore, #tpu.memory_space<semaphore_mem>>, %arg15: memref<10240x128xf32, #tpu.memory_space<vmem_shared>>) attributes {dimension_semantics = [#tpu.dimension_semantics<core_parallel>, #tpu.dimension_semantics<subcore_parallel>], iteration_bounds = array<i64: 2, 16>, scalar_prefetch = 0 : i64, scratch_operands = 9 : i64, tpu.core_type = #tpu.core_type<sc_vector_subcore>, window_params = [{transform_indices = #map}, {transform_indices = #map1}, {transform_indices = #map1}, {transform_indices = #map}, {transform_indices = #map1}]} {
    %mul3A = arith.constant 16 : i32
    %mul3A_0 = arith.muli %arg0, %mul3A : i32
    %add3A = arith.addi %mul3A_0, %arg1 : i32
    %mul3A_1 = arith.constant 640 : i32
    %mul3A_2 = arith.muli %arg1, %mul3A_1 : i32
    "tpu.region"() ({
      %run_scoped3A = tpu.sem_alloc : memref<!tpu.dma_semaphore, #tpu.memory_space<semaphore_mem>>
      %dma_start3A = arith.constant 0 : i32
      %dma_start3A_8 = tpu.memref_slice %arg15[%mul3A_2, %dma_start3A] : memref<10240x128xf32, #tpu.memory_space<vmem_shared>> -> memref<640x128xf32, #tpu.memory_space<vmem_shared>>
      %dma_start3A_9 = arith.constant 0 : i32
      %dma_start3A_10 = tpu.memref_slice %arg5[%mul3A_2, %dma_start3A_9] : memref<10240x128xf32, #tpu.memory_space<hbm>> -> memref<640x128xf32, #tpu.memory_space<hbm>>
      tpu.enqueue_dma source(%dma_start3A_10 : memref<640x128xf32, #tpu.memory_space<hbm>>) target(%dma_start3A_8 : memref<640x128xf32, #tpu.memory_space<vmem_shared>>) target_semaphore(%run_scoped3A : memref<!tpu.dma_semaphore, #tpu.memory_space<semaphore_mem>>)
      %dma_wait3A = arith.constant 0 : i32
      %dma_wait3A_11 = tpu.memref_slice %arg15[%mul3A_2, %dma_wait3A] : memref<10240x128xf32, #tpu.memory_space<vmem_shared>> -> memref<640x128xf32, #tpu.memory_space<vmem_shared>>
      %dma_wait3A_12 = arith.constant 0 : i32
      %dma_wait3A_13 = tpu.memref_slice %arg5[%mul3A_2, %dma_wait3A_12] : memref<10240x128xf32, #tpu.memory_space<hbm>> -> memref<640x128xf32, #tpu.memory_space<hbm>>
      tpu.wait_dma2 semaphore(%run_scoped3A : memref<!tpu.dma_semaphore, #tpu.memory_space<semaphore_mem>>) src(%dma_wait3A_13 : memref<640x128xf32, #tpu.memory_space<hbm>>) dst(%dma_wait3A_11 : memref<640x128xf32, #tpu.memory_space<vmem_shared>>)
      tpu.yield
    }) : () -> ()
    %barrier3A = arith.constant 0 : index
    tpu.barrier barrier_id(%barrier3A)
    %scan3A = arith.constant 0 : i32
    %scan3A_3 = arith.constant 2 : i32
    %scan3A_4 = arith.addi %scan3A, %scan3A_3 : i32
    %scan3A_5 = arith.constant 1 : i32
    scf.for %scan3A_8 = %scan3A to %scan3A_4 step %scan3A_5  : i32 {
      %mul3A_9 = arith.constant 1 : i32
      %mul3A_10 = arith.muli %scan3A_8, %mul3A_9 : i32
      %add3A_11 = arith.constant 0 : i32
      %add3A_12 = arith.addi %add3A_11, %mul3A_10 : i32
      %mul3A_13 = arith.constant 40 : i32
      %mul3A_14 = arith.muli %add3A_12, %mul3A_13 : i32
      "tpu.region"() ({
        %run_scoped3A = tpu.sem_alloc : memref<!tpu.dma_semaphore, #tpu.memory_space<semaphore_mem>>
        %dma_start3A_34 = arith.constant 0 : i32
        %dma_start3A_35 = tpu.memref_slice %arg3[%add3A, %mul3A_14, %dma_start3A_34] : memref<32x80x128xi32, #tpu.memory_space<hbm>> -> memref<1x40x128xi32, #tpu.memory_space<hbm>>
        %dma_start3A_36 = tpu.memref_squeeze %dma_start3A_35 : memref<1x40x128xi32, #tpu.memory_space<hbm>> -> memref<40x128xi32, #tpu.memory_space<hbm>>
        %dma_start3A_37 = arith.constant 0 : i32
        %dma_start3A_38 = tpu.memref_slice %arg3[%add3A, %mul3A_14, %dma_start3A_37] : memref<32x80x128xi32, #tpu.memory_space<hbm>> -> memref<1x40x128xi32, #tpu.memory_space<hbm>>
        %dma_start3A_39 = tpu.memref_squeeze %dma_start3A_38 : memref<1x40x128xi32, #tpu.memory_space<hbm>> -> memref<40x128xi32, #tpu.memory_space<hbm>>
        tpu.enqueue_dma source(%dma_start3A_39 : memref<40x128xi32, #tpu.memory_space<hbm>>) target(%arg7 : memref<40x128xi32, #tpu.memory_space<vmem>>) target_semaphore(%run_scoped3A : memref<!tpu.dma_semaphore, #tpu.memory_space<semaphore_mem>>)
        %dma_wait3A_40 = arith.constant 0 : i32
        %dma_wait3A_41 = tpu.memref_slice %arg3[%add3A, %mul3A_14, %dma_wait3A_40] : memref<32x80x128xi32, #tpu.memory_space<hbm>> -> memref<1x40x128xi32, #tpu.memory_space<hbm>>
        %dma_wait3A_42 = tpu.memref_squeeze %dma_wait3A_41 : memref<1x40x128xi32, #tpu.memory_space<hbm>> -> memref<40x128xi32, #tpu.memory_space<hbm>>
        %dma_wait3A_43 = arith.constant 0 : i32
        %dma_wait3A_44 = tpu.memref_slice %arg3[%add3A, %mul3A_14, %dma_wait3A_43] : memref<32x80x128xi32, #tpu.memory_space<hbm>> -> memref<1x40x128xi32, #tpu.memory_space<hbm>>
        %dma_wait3A_45 = tpu.memref_squeeze %dma_wait3A_44 : memref<1x40x128xi32, #tpu.memory_space<hbm>> -> memref<40x128xi32, #tpu.memory_space<hbm>>
        tpu.wait_dma2 semaphore(%run_scoped3A : memref<!tpu.dma_semaphore, #tpu.memory_space<semaphore_mem>>) src(%dma_wait3A_45 : memref<40x128xi32, #tpu.memory_space<hbm>>) dst(%arg7 : memref<40x128xi32, #tpu.memory_space<vmem>>)
        tpu.yield
      }) : () -> ()
      %mul3A_15 = arith.constant 40 : i32
      %mul3A_16 = arith.muli %add3A_12, %mul3A_15 : i32
      "tpu.region"() ({
        %run_scoped3A = tpu.sem_alloc : memref<!tpu.dma_semaphore, #tpu.memory_space<semaphore_mem>>
        %dma_start3A_34 = arith.constant 0 : i32
        %dma_start3A_35 = tpu.memref_slice %arg4[%add3A, %mul3A_16, %dma_start3A_34] : memref<32x80x128xi32, #tpu.memory_space<hbm>> -> memref<1x40x128xi32, #tpu.memory_space<hbm>>
        %dma_start3A_36 = tpu.memref_squeeze %dma_start3A_35 : memref<1x40x128xi32, #tpu.memory_space<hbm>> -> memref<40x128xi32, #tpu.memory_space<hbm>>
        %dma_start3A_37 = arith.constant 0 : i32
        %dma_start3A_38 = tpu.memref_slice %arg4[%add3A, %mul3A_16, %dma_start3A_37] : memref<32x80x128xi32, #tpu.memory_space<hbm>> -> memref<1x40x128xi32, #tpu.memory_space<hbm>>
        %dma_start3A_39 = tpu.memref_squeeze %dma_start3A_38 : memref<1x40x128xi32, #tpu.memory_space<hbm>> -> memref<40x128xi32, #tpu.memory_space<hbm>>
        tpu.enqueue_dma source(%dma_start3A_39 : memref<40x128xi32, #tpu.memory_space<hbm>>) target(%arg8 : memref<40x128xi32, #tpu.memory_space<vmem>>) target_semaphore(%run_scoped3A : memref<!tpu.dma_semaphore, #tpu.memory_space<semaphore_mem>>)
        %dma_wait3A_40 = arith.constant 0 : i32
        %dma_wait3A_41 = tpu.memref_slice %arg4[%add3A, %mul3A_16, %dma_wait3A_40] : memref<32x80x128xi32, #tpu.memory_space<hbm>> -> memref<1x40x128xi32, #tpu.memory_space<hbm>>
        %dma_wait3A_42 = tpu.memref_squeeze %dma_wait3A_41 : memref<1x40x128xi32, #tpu.memory_space<hbm>> -> memref<40x128xi32, #tpu.memory_space<hbm>>
        %dma_wait3A_43 = arith.constant 0 : i32
        %dma_wait3A_44 = tpu.memref_slice %arg4[%add3A, %mul3A_16, %dma_wait3A_43] : memref<32x80x128xi32, #tpu.memory_space<hbm>> -> memref<1x40x128xi32, #tpu.memory_space<hbm>>
        %dma_wait3A_45 = tpu.memref_squeeze %dma_wait3A_44 : memref<1x40x128xi32, #tpu.memory_space<hbm>> -> memref<40x128xi32, #tpu.memory_space<hbm>>
        tpu.wait_dma2 semaphore(%run_scoped3A : memref<!tpu.dma_semaphore, #tpu.memory_space<semaphore_mem>>) src(%dma_wait3A_45 : memref<40x128xi32, #tpu.memory_space<hbm>>) dst(%arg8 : memref<40x128xi32, #tpu.memory_space<vmem>>)
        tpu.yield
      }) : () -> ()
      %dma_start3A = arith.constant 0 : i32
      %dma_start3A_17 = arith.constant 0 : i32
      %dma_start3A_18 = tpu.memref_slice %arg7[%dma_start3A, %dma_start3A_17] : memref<40x128xi32, #tpu.memory_space<vmem>> -> memref<1x128xi32, #tpu.memory_space<vmem>>
      %dma_start3A_19 = tpu.memref_squeeze %dma_start3A_18 : memref<1x128xi32, #tpu.memory_space<vmem>> -> memref<128xi32, #tpu.memory_space<vmem>>
      %dma_start3A_20 = arith.constant 0 : i32
      %dma_start3A_21 = arith.constant 0 : i32
      %dma_start3A_22 = tpu.memref_slice %arg2[%dma_start3A_20, %dma_start3A_21] : memref<10240x128xf32, #tpu.memory_space<hbm>> -> memref<10240x128xf32, #tpu.memory_space<hbm>>
      tpu.enqueue_indirect_dma source(%dma_start3A_22 : memref<10240x128xf32, #tpu.memory_space<hbm>>) target(%arg9 : memref<128x128xf32, #tpu.memory_space<vmem>>) offsets(%dma_start3A_19 : memref<128xi32, #tpu.memory_space<vmem>>) semaphore(%arg11 : memref<!tpu.dma_semaphore, #tpu.memory_space<semaphore_mem>>)
      %scan3A_23 = arith.constant 0 : i32
      %scan3A_24 = arith.constant 20 : i32
      %scan3A_25 = arith.addi %scan3A_23, %scan3A_24 : i32
      %scan3A_26 = arith.constant 1 : i32
      scf.for %scan3A_34 = %scan3A_23 to %scan3A_25 step %scan3A_26  : i32 {
        %mul3A_35 = arith.constant 1 : i32
        %mul3A_36 = arith.muli %scan3A_34, %mul3A_35 : i32
        %add3A_37 = arith.constant 0 : i32
        %add3A_38 = arith.addi %add3A_37, %mul3A_36 : i32
        %mul3A_39 = arith.constant 2 : i32
        %mul3A_40 = arith.muli %mul3A_39, %add3A_38 : i32
        %add3A_41 = arith.constant 0 : i32
        %add3A_42 = arith.addi %mul3A_40, %add3A_41 : i32
        %dma_wait3A_43 = arith.constant 0 : i32
        %dma_wait3A_44 = tpu.memref_slice %arg7[%add3A_42, %dma_wait3A_43] : memref<40x128xi32, #tpu.memory_space<vmem>> -> memref<1x128xi32, #tpu.memory_space<vmem>>
        %dma_wait3A_45 = tpu.memref_squeeze %dma_wait3A_44 : memref<1x128xi32, #tpu.memory_space<vmem>> -> memref<128xi32, #tpu.memory_space<vmem>>
        %dma_wait3A_46 = arith.constant 0 : i32
        %dma_wait3A_47 = arith.constant 0 : i32
        %dma_wait3A_48 = tpu.memref_slice %arg2[%dma_wait3A_46, %dma_wait3A_47] : memref<10240x128xf32, #tpu.memory_space<hbm>> -> memref<10240x128xf32, #tpu.memory_space<hbm>>
        tpu.wait_indirect_dma semaphore(%arg11 : memref<!tpu.dma_semaphore, #tpu.memory_space<semaphore_mem>>) src(%dma_wait3A_48 : memref<10240x128xf32, #tpu.memory_space<hbm>>) dst(%arg9 : memref<128x128xf32, #tpu.memory_space<vmem>>)
        %dma_start3A_49 = arith.constant 0 : i32
        %dma_start3A_50 = tpu.memref_slice %arg8[%add3A_42, %dma_start3A_49] : memref<40x128xi32, #tpu.memory_space<vmem>> -> memref<1x128xi32, #tpu.memory_space<vmem>>
        %dma_start3A_51 = tpu.memref_squeeze %dma_start3A_50 : memref<1x128xi32, #tpu.memory_space<vmem>> -> memref<128xi32, #tpu.memory_space<vmem>>
        %dma_start3A_52 = arith.constant 0 : i32
        %dma_start3A_53 = arith.constant 0 : i32
        %dma_start3A_54 = tpu.memref_slice %arg15[%dma_start3A_52, %dma_start3A_53] : memref<10240x128xf32, #tpu.memory_space<vmem_shared>> -> memref<10240x128xf32, #tpu.memory_space<vmem_shared>>
        tpu.enqueue_indirect_dma source(%arg9 : memref<128x128xf32, #tpu.memory_space<vmem>>) target(%dma_start3A_54 : memref<10240x128xf32, #tpu.memory_space<vmem_shared>>) offsets(%dma_start3A_51 : memref<128xi32, #tpu.memory_space<vmem>>) semaphore(%arg13 : memref<!tpu.dma_semaphore, #tpu.memory_space<semaphore_mem>>) {add = true}
        %ge3A = arith.constant 1 : i32
        %ge3A_55 = arith.cmpi sge, %add3A_42, %ge3A : i32
        %convert_element_type3A = arith.extui %ge3A_55 : i1 to i32
        %cond3A = arith.constant 0 : i32
        %cond3A_56 = arith.cmpi ne, %convert_element_type3A, %cond3A : i32
        scf.if %cond3A_56 {
          %sub3A = arith.constant 1 : i32
          %sub3A_91 = arith.subi %add3A_42, %sub3A : i32
          %dma_wait3A_92 = arith.constant 0 : i32
          %dma_wait3A_93 = tpu.memref_slice %arg8[%sub3A_91, %dma_wait3A_92] : memref<40x128xi32, #tpu.memory_space<vmem>> -> memref<1x128xi32, #tpu.memory_space<vmem>>
          %dma_wait3A_94 = tpu.memref_squeeze %dma_wait3A_93 : memref<1x128xi32, #tpu.memory_space<vmem>> -> memref<128xi32, #tpu.memory_space<vmem>>
          %dma_wait3A_95 = arith.constant 0 : i32
          %dma_wait3A_96 = arith.constant 0 : i32
          %dma_wait3A_97 = tpu.memref_slice %arg15[%dma_wait3A_95, %dma_wait3A_96] : memref<10240x128xf32, #tpu.memory_space<vmem_shared>> -> memref<10240x128xf32, #tpu.memory_space<vmem_shared>>
          tpu.wait_indirect_dma semaphore(%arg14 : memref<!tpu.dma_semaphore, #tpu.memory_space<semaphore_mem>>) src(%arg10 : memref<128x128xf32, #tpu.memory_space<vmem>>) dst(%dma_wait3A_97 : memref<10240x128xf32, #tpu.memory_space<vmem_shared>>)
        } else {
        }
        %add3A_57 = arith.constant 1 : i32
        %add3A_58 = arith.addi %add3A_42, %add3A_57 : i32
        %lt3A = arith.constant 40 : i32
        %lt3A_59 = arith.cmpi slt, %add3A_58, %lt3A : i32
        %convert_element_type3A_60 = arith.extui %lt3A_59 : i1 to i32
        %cond3A_61 = arith.constant 0 : i32
        %cond3A_62 = arith.cmpi ne, %convert_element_type3A_60, %cond3A_61 : i32
        scf.if %cond3A_62 {
          %add3A_91 = arith.constant 1 : i32
          %add3A_92 = arith.addi %add3A_42, %add3A_91 : i32
          %dma_start3A_93 = arith.constant 0 : i32
          %dma_start3A_94 = tpu.memref_slice %arg7[%add3A_92, %dma_start3A_93] : memref<40x128xi32, #tpu.memory_space<vmem>> -> memref<1x128xi32, #tpu.memory_space<vmem>>
          %dma_start3A_95 = tpu.memref_squeeze %dma_start3A_94 : memref<1x128xi32, #tpu.memory_space<vmem>> -> memref<128xi32, #tpu.memory_space<vmem>>
          %dma_start3A_96 = arith.constant 0 : i32
          %dma_start3A_97 = arith.constant 0 : i32
          %dma_start3A_98 = tpu.memref_slice %arg2[%dma_start3A_96, %dma_start3A_97] : memref<10240x128xf32, #tpu.memory_space<hbm>> -> memref<10240x128xf32, #tpu.memory_space<hbm>>
          tpu.enqueue_indirect_dma source(%dma_start3A_98 : memref<10240x128xf32, #tpu.memory_space<hbm>>) target(%arg10 : memref<128x128xf32, #tpu.memory_space<vmem>>) offsets(%dma_start3A_95 : memref<128xi32, #tpu.memory_space<vmem>>) semaphore(%arg12 : memref<!tpu.dma_semaphore, #tpu.memory_space<semaphore_mem>>)
        } else {
        }
        %mul3A_63 = arith.constant 2 : i32
        %mul3A_64 = arith.muli %mul3A_63, %add3A_38 : i32
        %add3A_65 = arith.constant 1 : i32
        %add3A_66 = arith.addi %mul3A_64, %add3A_65 : i32
        %dma_wait3A_67 = arith.constant 0 : i32
        %dma_wait3A_68 = tpu.memref_slice %arg7[%add3A_66, %dma_wait3A_67] : memref<40x128xi32, #tpu.memory_space<vmem>> -> memref<1x128xi32, #tpu.memory_space<vmem>>
        %dma_wait3A_69 = tpu.memref_squeeze %dma_wait3A_68 : memref<1x128xi32, #tpu.memory_space<vmem>> -> memref<128xi32, #tpu.memory_space<vmem>>
        %dma_wait3A_70 = arith.constant 0 : i32
        %dma_wait3A_71 = arith.constant 0 : i32
        %dma_wait3A_72 = tpu.memref_slice %arg2[%dma_wait3A_70, %dma_wait3A_71] : memref<10240x128xf32, #tpu.memory_space<hbm>> -> memref<10240x128xf32, #tpu.memory_space<hbm>>
        tpu.wait_indirect_dma semaphore(%arg12 : memref<!tpu.dma_semaphore, #tpu.memory_space<semaphore_mem>>) src(%dma_wait3A_72 : memref<10240x128xf32, #tpu.memory_space<hbm>>) dst(%arg10 : memref<128x128xf32, #tpu.memory_space<vmem>>)
        %dma_start3A_73 = arith.constant 0 : i32
        %dma_start3A_74 = tpu.memref_slice %arg8[%add3A_66, %dma_start3A_73] : memref<40x128xi32, #tpu.memory_space<vmem>> -> memref<1x128xi32, #tpu.memory_space<vmem>>
        %dma_start3A_75 = tpu.memref_squeeze %dma_start3A_74 : memref<1x128xi32, #tpu.memory_space<vmem>> -> memref<128xi32, #tpu.memory_space<vmem>>
        %dma_start3A_76 = arith.constant 0 : i32
        %dma_start3A_77 = arith.constant 0 : i32
        %dma_start3A_78 = tpu.memref_slice %arg15[%dma_start3A_76, %dma_start3A_77] : memref<10240x128xf32, #tpu.memory_space<vmem_shared>> -> memref<10240x128xf32, #tpu.memory_space<vmem_shared>>
        tpu.enqueue_indirect_dma source(%arg10 : memref<128x128xf32, #tpu.memory_space<vmem>>) target(%dma_start3A_78 : memref<10240x128xf32, #tpu.memory_space<vmem_shared>>) offsets(%dma_start3A_75 : memref<128xi32, #tpu.memory_space<vmem>>) semaphore(%arg14 : memref<!tpu.dma_semaphore, #tpu.memory_space<semaphore_mem>>) {add = true}
        %ge3A_79 = arith.constant 1 : i32
        %ge3A_80 = arith.cmpi sge, %add3A_66, %ge3A_79 : i32
        %convert_element_type3A_81 = arith.extui %ge3A_80 : i1 to i32
        %cond3A_82 = arith.constant 0 : i32
        %cond3A_83 = arith.cmpi ne, %convert_element_type3A_81, %cond3A_82 : i32
        scf.if %cond3A_83 {
          %sub3A = arith.constant 1 : i32
          %sub3A_91 = arith.subi %add3A_66, %sub3A : i32
          %dma_wait3A_92 = arith.constant 0 : i32
          %dma_wait3A_93 = tpu.memref_slice %arg8[%sub3A_91, %dma_wait3A_92] : memref<40x128xi32, #tpu.memory_space<vmem>> -> memref<1x128xi32, #tpu.memory_space<vmem>>
          %dma_wait3A_94 = tpu.memref_squeeze %dma_wait3A_93 : memref<1x128xi32, #tpu.memory_space<vmem>> -> memref<128xi32, #tpu.memory_space<vmem>>
          %dma_wait3A_95 = arith.constant 0 : i32
          %dma_wait3A_96 = arith.constant 0 : i32
          %dma_wait3A_97 = tpu.memref_slice %arg15[%dma_wait3A_95, %dma_wait3A_96] : memref<10240x128xf32, #tpu.memory_space<vmem_shared>> -> memref<10240x128xf32, #tpu.memory_space<vmem_shared>>
          tpu.wait_indirect_dma semaphore(%arg13 : memref<!tpu.dma_semaphore, #tpu.memory_space<semaphore_mem>>) src(%arg9 : memref<128x128xf32, #tpu.memory_space<vmem>>) dst(%dma_wait3A_97 : memref<10240x128xf32, #tpu.memory_space<vmem_shared>>)
        } else {
        }
        %add3A_84 = arith.constant 1 : i32
        %add3A_85 = arith.addi %add3A_66, %add3A_84 : i32
        %lt3A_86 = arith.constant 40 : i32
        %lt3A_87 = arith.cmpi slt, %add3A_85, %lt3A_86 : i32
        %convert_element_type3A_88 = arith.extui %lt3A_87 : i1 to i32
        %cond3A_89 = arith.constant 0 : i32
        %cond3A_90 = arith.cmpi ne, %convert_element_type3A_88, %cond3A_89 : i32
        scf.if %cond3A_90 {
          %add3A_91 = arith.constant 1 : i32
          %add3A_92 = arith.addi %add3A_66, %add3A_91 : i32
          %dma_start3A_93 = arith.constant 0 : i32
          %dma_start3A_94 = tpu.memref_slice %arg7[%add3A_92, %dma_start3A_93] : memref<40x128xi32, #tpu.memory_space<vmem>> -> memref<1x128xi32, #tpu.memory_space<vmem>>
          %dma_start3A_95 = tpu.memref_squeeze %dma_start3A_94 : memref<1x128xi32, #tpu.memory_space<vmem>> -> memref<128xi32, #tpu.memory_space<vmem>>
          %dma_start3A_96 = arith.constant 0 : i32
          %dma_start3A_97 = arith.constant 0 : i32
          %dma_start3A_98 = tpu.memref_slice %arg2[%dma_start3A_96, %dma_start3A_97] : memref<10240x128xf32, #tpu.memory_space<hbm>> -> memref<10240x128xf32, #tpu.memory_space<hbm>>
          tpu.enqueue_indirect_dma source(%dma_start3A_98 : memref<10240x128xf32, #tpu.memory_space<hbm>>) target(%arg9 : memref<128x128xf32, #tpu.memory_space<vmem>>) offsets(%dma_start3A_95 : memref<128xi32, #tpu.memory_space<vmem>>) semaphore(%arg11 : memref<!tpu.dma_semaphore, #tpu.memory_space<semaphore_mem>>)
        } else {
        }
      }
      %scan3A_27 = arith.constant 20 : i32
      %dma_wait3A = arith.constant 39 : i32
      %dma_wait3A_28 = arith.constant 0 : i32
      %dma_wait3A_29 = tpu.memref_slice %arg8[%dma_wait3A, %dma_wait3A_28] : memref<40x128xi32, #tpu.memory_space<vmem>> -> memref<1x128xi32, #tpu.memory_space<vmem>>
      %dma_wait3A_30 = tpu.memref_squeeze %dma_wait3A_29 : memref<1x128xi32, #tpu.memory_space<vmem>> -> memref<128xi32, #tpu.memory_space<vmem>>
      %dma_wait3A_31 = arith.constant 0 : i32
      %dma_wait3A_32 = arith.constant 0 : i32
      %dma_wait3A_33 = tpu.memref_slice %arg15[%dma_wait3A_31, %dma_wait3A_32] : memref<10240x128xf32, #tpu.memory_space<vmem_shared>> -> memref<10240x128xf32, #tpu.memory_space<vmem_shared>>
      tpu.wait_indirect_dma semaphore(%arg14 : memref<!tpu.dma_semaphore, #tpu.memory_space<semaphore_mem>>) src(%arg10 : memref<128x128xf32, #tpu.memory_space<vmem>>) dst(%dma_wait3A_33 : memref<10240x128xf32, #tpu.memory_space<vmem_shared>>)
    }
    %scan3A_6 = arith.constant 2 : i32
    %barrier3A_7 = arith.constant 0 : index
    tpu.barrier barrier_id(%barrier3A_7)
    "tpu.region"() ({
      %run_scoped3A = tpu.sem_alloc : memref<!tpu.dma_semaphore, #tpu.memory_space<semaphore_mem>>
      %dma_start3A = arith.constant 0 : i32
      %dma_start3A_8 = tpu.memref_slice %arg6[%arg0, %mul3A_2, %dma_start3A] : memref<2x10240x128xf32, #tpu.memory_space<hbm>> -> memref<1x640x128xf32, #tpu.memory_space<hbm>>
      %dma_start3A_9 = tpu.memref_squeeze %dma_start3A_8 : memref<1x640x128xf32, #tpu.memory_space<hbm>> -> memref<640x128xf32, #tpu.memory_space<hbm>>
      %dma_start3A_10 = arith.constant 0 : i32
      %dma_start3A_11 = tpu.memref_slice %arg15[%mul3A_2, %dma_start3A_10] : memref<10240x128xf32, #tpu.memory_space<vmem_shared>> -> memref<640x128xf32, #tpu.memory_space<vmem_shared>>
      tpu.enqueue_dma source(%dma_start3A_11 : memref<640x128xf32, #tpu.memory_space<vmem_shared>>) target(%dma_start3A_9 : memref<640x128xf32, #tpu.memory_space<hbm>>) target_semaphore(%run_scoped3A : memref<!tpu.dma_semaphore, #tpu.memory_space<semaphore_mem>>)
      %dma_wait3A = arith.constant 0 : i32
      %dma_wait3A_12 = tpu.memref_slice %arg6[%arg0, %mul3A_2, %dma_wait3A] : memref<2x10240x128xf32, #tpu.memory_space<hbm>> -> memref<1x640x128xf32, #tpu.memory_space<hbm>>
      %dma_wait3A_13 = tpu.memref_squeeze %dma_wait3A_12 : memref<1x640x128xf32, #tpu.memory_space<hbm>> -> memref<640x128xf32, #tpu.memory_space<hbm>>
      %dma_wait3A_14 = arith.constant 0 : i32
      %dma_wait3A_15 = tpu.memref_slice %arg15[%mul3A_2, %dma_wait3A_14] : memref<10240x128xf32, #tpu.memory_space<vmem_shared>> -> memref<640x128xf32, #tpu.memory_space<vmem_shared>>
      tpu.wait_dma2 semaphore(%run_scoped3A : memref<!tpu.dma_semaphore, #tpu.memory_space<semaphore_mem>>) src(%dma_wait3A_15 : memref<640x128xf32, #tpu.memory_space<vmem_shared>>) dst(%dma_wait3A_13 : memref<640x128xf32, #tpu.memory_space<hbm>>)
      tpu.yield
    }) : () -> ()
    return
  }
}

#map = affine_map<(d0, d1) -> (0, 0)>
#map1 = affine_map<(d0, d1) -> (0, 0, 0)>
module attributes {stable_mosaic.version = 14 : i64} {
  func.func @_sc_agg_body(%arg0: i32, %arg1: i32, %arg2: memref<10240x128xf32, #tpu.memory_space<hbm>>, %arg3: memref<32x80x128xi32, #tpu.memory_space<hbm>>, %arg4: memref<32x80x128xi32, #tpu.memory_space<hbm>>, %arg5: memref<10240x128xf32, #tpu.memory_space<hbm>>, %arg6: memref<2x10240x128xf32, #tpu.memory_space<hbm>>, %arg7: memref<40x128xi32, #tpu.memory_space<vmem>>, %arg8: memref<40x128xi32, #tpu.memory_space<vmem>>, %arg9: memref<128x128xf32, #tpu.memory_space<vmem>>, %arg10: memref<128x128xf32, #tpu.memory_space<vmem>>, %arg11: memref<!tpu.dma_semaphore, #tpu.memory_space<semaphore_mem>>, %arg12: memref<!tpu.dma_semaphore, #tpu.memory_space<semaphore_mem>>, %arg13: memref<!tpu.dma_semaphore, #tpu.memory_space<semaphore_mem>>, %arg14: memref<!tpu.dma_semaphore, #tpu.memory_space<semaphore_mem>>, %arg15: memref<10240x128xf32, #tpu.memory_space<vmem_shared>>) attributes {dimension_semantics = [#tpu.dimension_semantics<core_parallel>, #tpu.dimension_semantics<subcore_parallel>], iteration_bounds = array<i64: 2, 16>, scalar_prefetch = 0 : i64, scratch_operands = 9 : i64, tpu.core_type = #tpu.core_type<sc_vector_subcore>, window_params = [{transform_indices = #map}, {transform_indices = #map1}, {transform_indices = #map1}, {transform_indices = #map}, {transform_indices = #map1}]} {
    %mul3A = arith.constant 16 : i32
    %mul3A_0 = arith.muli %arg0, %mul3A : i32
    %add3A = arith.addi %mul3A_0, %arg1 : i32
    %mul3A_1 = arith.constant 640 : i32
    %mul3A_2 = arith.muli %arg1, %mul3A_1 : i32
    "tpu.region"() ({
      %run_scoped3A = tpu.sem_alloc : memref<!tpu.dma_semaphore, #tpu.memory_space<semaphore_mem>>
      %dma_start3A = arith.constant 0 : i32
      %dma_start3A_8 = tpu.memref_slice %arg15[%mul3A_2, %dma_start3A] : memref<10240x128xf32, #tpu.memory_space<vmem_shared>> -> memref<640x128xf32, #tpu.memory_space<vmem_shared>>
      %dma_start3A_9 = arith.constant 0 : i32
      %dma_start3A_10 = tpu.memref_slice %arg5[%mul3A_2, %dma_start3A_9] : memref<10240x128xf32, #tpu.memory_space<hbm>> -> memref<640x128xf32, #tpu.memory_space<hbm>>
      tpu.enqueue_dma source(%dma_start3A_10 : memref<640x128xf32, #tpu.memory_space<hbm>>) target(%dma_start3A_8 : memref<640x128xf32, #tpu.memory_space<vmem_shared>>) target_semaphore(%run_scoped3A : memref<!tpu.dma_semaphore, #tpu.memory_space<semaphore_mem>>)
      %dma_wait3A = arith.constant 0 : i32
      %dma_wait3A_11 = tpu.memref_slice %arg15[%mul3A_2, %dma_wait3A] : memref<10240x128xf32, #tpu.memory_space<vmem_shared>> -> memref<640x128xf32, #tpu.memory_space<vmem_shared>>
      %dma_wait3A_12 = arith.constant 0 : i32
      %dma_wait3A_13 = tpu.memref_slice %arg5[%mul3A_2, %dma_wait3A_12] : memref<10240x128xf32, #tpu.memory_space<hbm>> -> memref<640x128xf32, #tpu.memory_space<hbm>>
      tpu.wait_dma2 semaphore(%run_scoped3A : memref<!tpu.dma_semaphore, #tpu.memory_space<semaphore_mem>>) src(%dma_wait3A_13 : memref<640x128xf32, #tpu.memory_space<hbm>>) dst(%dma_wait3A_11 : memref<640x128xf32, #tpu.memory_space<vmem_shared>>)
      tpu.yield
    }) : () -> ()
    %barrier3A = arith.constant 0 : index
    tpu.barrier barrier_id(%barrier3A)
    %scan3A = arith.constant 0 : i32
    %scan3A_3 = arith.constant 2 : i32
    %scan3A_4 = arith.addi %scan3A, %scan3A_3 : i32
    %scan3A_5 = arith.constant 1 : i32
    scf.for %scan3A_8 = %scan3A to %scan3A_4 step %scan3A_5  : i32 {
      %mul3A_9 = arith.constant 1 : i32
      %mul3A_10 = arith.muli %scan3A_8, %mul3A_9 : i32
      %add3A_11 = arith.constant 0 : i32
      %add3A_12 = arith.addi %add3A_11, %mul3A_10 : i32
      %mul3A_13 = arith.constant 40 : i32
      %mul3A_14 = arith.muli %add3A_12, %mul3A_13 : i32
      "tpu.region"() ({
        %run_scoped3A = tpu.sem_alloc : memref<!tpu.dma_semaphore, #tpu.memory_space<semaphore_mem>>
        %dma_start3A_34 = arith.constant 0 : i32
        %dma_start3A_35 = tpu.memref_slice %arg3[%add3A, %mul3A_14, %dma_start3A_34] : memref<32x80x128xi32, #tpu.memory_space<hbm>> -> memref<1x40x128xi32, #tpu.memory_space<hbm>>
        %dma_start3A_36 = tpu.memref_squeeze %dma_start3A_35 : memref<1x40x128xi32, #tpu.memory_space<hbm>> -> memref<40x128xi32, #tpu.memory_space<hbm>>
        %dma_start3A_37 = arith.constant 0 : i32
        %dma_start3A_38 = tpu.memref_slice %arg3[%add3A, %mul3A_14, %dma_start3A_37] : memref<32x80x128xi32, #tpu.memory_space<hbm>> -> memref<1x40x128xi32, #tpu.memory_space<hbm>>
        %dma_start3A_39 = tpu.memref_squeeze %dma_start3A_38 : memref<1x40x128xi32, #tpu.memory_space<hbm>> -> memref<40x128xi32, #tpu.memory_space<hbm>>
        tpu.enqueue_dma source(%dma_start3A_39 : memref<40x128xi32, #tpu.memory_space<hbm>>) target(%arg7 : memref<40x128xi32, #tpu.memory_space<vmem>>) target_semaphore(%run_scoped3A : memref<!tpu.dma_semaphore, #tpu.memory_space<semaphore_mem>>)
        %dma_wait3A_40 = arith.constant 0 : i32
        %dma_wait3A_41 = tpu.memref_slice %arg3[%add3A, %mul3A_14, %dma_wait3A_40] : memref<32x80x128xi32, #tpu.memory_space<hbm>> -> memref<1x40x128xi32, #tpu.memory_space<hbm>>
        %dma_wait3A_42 = tpu.memref_squeeze %dma_wait3A_41 : memref<1x40x128xi32, #tpu.memory_space<hbm>> -> memref<40x128xi32, #tpu.memory_space<hbm>>
        %dma_wait3A_43 = arith.constant 0 : i32
        %dma_wait3A_44 = tpu.memref_slice %arg3[%add3A, %mul3A_14, %dma_wait3A_43] : memref<32x80x128xi32, #tpu.memory_space<hbm>> -> memref<1x40x128xi32, #tpu.memory_space<hbm>>
        %dma_wait3A_45 = tpu.memref_squeeze %dma_wait3A_44 : memref<1x40x128xi32, #tpu.memory_space<hbm>> -> memref<40x128xi32, #tpu.memory_space<hbm>>
        tpu.wait_dma2 semaphore(%run_scoped3A : memref<!tpu.dma_semaphore, #tpu.memory_space<semaphore_mem>>) src(%dma_wait3A_45 : memref<40x128xi32, #tpu.memory_space<hbm>>) dst(%arg7 : memref<40x128xi32, #tpu.memory_space<vmem>>)
        tpu.yield
      }) : () -> ()
      %mul3A_15 = arith.constant 40 : i32
      %mul3A_16 = arith.muli %add3A_12, %mul3A_15 : i32
      "tpu.region"() ({
        %run_scoped3A = tpu.sem_alloc : memref<!tpu.dma_semaphore, #tpu.memory_space<semaphore_mem>>
        %dma_start3A_34 = arith.constant 0 : i32
        %dma_start3A_35 = tpu.memref_slice %arg4[%add3A, %mul3A_16, %dma_start3A_34] : memref<32x80x128xi32, #tpu.memory_space<hbm>> -> memref<1x40x128xi32, #tpu.memory_space<hbm>>
        %dma_start3A_36 = tpu.memref_squeeze %dma_start3A_35 : memref<1x40x128xi32, #tpu.memory_space<hbm>> -> memref<40x128xi32, #tpu.memory_space<hbm>>
        %dma_start3A_37 = arith.constant 0 : i32
        %dma_start3A_38 = tpu.memref_slice %arg4[%add3A, %mul3A_16, %dma_start3A_37] : memref<32x80x128xi32, #tpu.memory_space<hbm>> -> memref<1x40x128xi32, #tpu.memory_space<hbm>>
        %dma_start3A_39 = tpu.memref_squeeze %dma_start3A_38 : memref<1x40x128xi32, #tpu.memory_space<hbm>> -> memref<40x128xi32, #tpu.memory_space<hbm>>
        tpu.enqueue_dma source(%dma_start3A_39 : memref<40x128xi32, #tpu.memory_space<hbm>>) target(%arg8 : memref<40x128xi32, #tpu.memory_space<vmem>>) target_semaphore(%run_scoped3A : memref<!tpu.dma_semaphore, #tpu.memory_space<semaphore_mem>>)
        %dma_wait3A_40 = arith.constant 0 : i32
        %dma_wait3A_41 = tpu.memref_slice %arg4[%add3A, %mul3A_16, %dma_wait3A_40] : memref<32x80x128xi32, #tpu.memory_space<hbm>> -> memref<1x40x128xi32, #tpu.memory_space<hbm>>
        %dma_wait3A_42 = tpu.memref_squeeze %dma_wait3A_41 : memref<1x40x128xi32, #tpu.memory_space<hbm>> -> memref<40x128xi32, #tpu.memory_space<hbm>>
        %dma_wait3A_43 = arith.constant 0 : i32
        %dma_wait3A_44 = tpu.memref_slice %arg4[%add3A, %mul3A_16, %dma_wait3A_43] : memref<32x80x128xi32, #tpu.memory_space<hbm>> -> memref<1x40x128xi32, #tpu.memory_space<hbm>>
        %dma_wait3A_45 = tpu.memref_squeeze %dma_wait3A_44 : memref<1x40x128xi32, #tpu.memory_space<hbm>> -> memref<40x128xi32, #tpu.memory_space<hbm>>
        tpu.wait_dma2 semaphore(%run_scoped3A : memref<!tpu.dma_semaphore, #tpu.memory_space<semaphore_mem>>) src(%dma_wait3A_45 : memref<40x128xi32, #tpu.memory_space<hbm>>) dst(%arg8 : memref<40x128xi32, #tpu.memory_space<vmem>>)
        tpu.yield
      }) : () -> ()
      %dma_start3A = arith.constant 0 : i32
      %dma_start3A_17 = arith.constant 0 : i32
      %dma_start3A_18 = tpu.memref_slice %arg7[%dma_start3A, %dma_start3A_17] : memref<40x128xi32, #tpu.memory_space<vmem>> -> memref<1x128xi32, #tpu.memory_space<vmem>>
      %dma_start3A_19 = tpu.memref_squeeze %dma_start3A_18 : memref<1x128xi32, #tpu.memory_space<vmem>> -> memref<128xi32, #tpu.memory_space<vmem>>
      %dma_start3A_20 = arith.constant 0 : i32
      %dma_start3A_21 = arith.constant 0 : i32
      %dma_start3A_22 = tpu.memref_slice %arg2[%dma_start3A_20, %dma_start3A_21] : memref<10240x128xf32, #tpu.memory_space<hbm>> -> memref<10240x128xf32, #tpu.memory_space<hbm>>
      tpu.enqueue_indirect_dma source(%dma_start3A_22 : memref<10240x128xf32, #tpu.memory_space<hbm>>) target(%arg9 : memref<128x128xf32, #tpu.memory_space<vmem>>) offsets(%dma_start3A_19 : memref<128xi32, #tpu.memory_space<vmem>>) semaphore(%arg11 : memref<!tpu.dma_semaphore, #tpu.memory_space<semaphore_mem>>)
      %scan3A_23 = arith.constant 0 : i32
      %scan3A_24 = arith.constant 20 : i32
      %scan3A_25 = arith.addi %scan3A_23, %scan3A_24 : i32
      %scan3A_26 = arith.constant 1 : i32
      scf.for %scan3A_34 = %scan3A_23 to %scan3A_25 step %scan3A_26  : i32 {
        %mul3A_35 = arith.constant 1 : i32
        %mul3A_36 = arith.muli %scan3A_34, %mul3A_35 : i32
        %add3A_37 = arith.constant 0 : i32
        %add3A_38 = arith.addi %add3A_37, %mul3A_36 : i32
        %mul3A_39 = arith.constant 2 : i32
        %mul3A_40 = arith.muli %mul3A_39, %add3A_38 : i32
        %add3A_41 = arith.constant 0 : i32
        %add3A_42 = arith.addi %mul3A_40, %add3A_41 : i32
        %dma_wait3A_43 = arith.constant 0 : i32
        %dma_wait3A_44 = tpu.memref_slice %arg7[%add3A_42, %dma_wait3A_43] : memref<40x128xi32, #tpu.memory_space<vmem>> -> memref<1x128xi32, #tpu.memory_space<vmem>>
        %dma_wait3A_45 = tpu.memref_squeeze %dma_wait3A_44 : memref<1x128xi32, #tpu.memory_space<vmem>> -> memref<128xi32, #tpu.memory_space<vmem>>
        %dma_wait3A_46 = arith.constant 0 : i32
        %dma_wait3A_47 = arith.constant 0 : i32
        %dma_wait3A_48 = tpu.memref_slice %arg2[%dma_wait3A_46, %dma_wait3A_47] : memref<10240x128xf32, #tpu.memory_space<hbm>> -> memref<10240x128xf32, #tpu.memory_space<hbm>>
        tpu.wait_indirect_dma semaphore(%arg11 : memref<!tpu.dma_semaphore, #tpu.memory_space<semaphore_mem>>) src(%dma_wait3A_48 : memref<10240x128xf32, #tpu.memory_space<hbm>>) dst(%arg9 : memref<128x128xf32, #tpu.memory_space<vmem>>)
        %dma_start3A_49 = arith.constant 0 : i32
        %dma_start3A_50 = tpu.memref_slice %arg8[%add3A_42, %dma_start3A_49] : memref<40x128xi32, #tpu.memory_space<vmem>> -> memref<1x128xi32, #tpu.memory_space<vmem>>
        %dma_start3A_51 = tpu.memref_squeeze %dma_start3A_50 : memref<1x128xi32, #tpu.memory_space<vmem>> -> memref<128xi32, #tpu.memory_space<vmem>>
        %dma_start3A_52 = arith.constant 0 : i32
        %dma_start3A_53 = arith.constant 0 : i32
        %dma_start3A_54 = tpu.memref_slice %arg15[%dma_start3A_52, %dma_start3A_53] : memref<10240x128xf32, #tpu.memory_space<vmem_shared>> -> memref<10240x128xf32, #tpu.memory_space<vmem_shared>>
        tpu.enqueue_indirect_dma source(%arg9 : memref<128x128xf32, #tpu.memory_space<vmem>>) target(%dma_start3A_54 : memref<10240x128xf32, #tpu.memory_space<vmem_shared>>) offsets(%dma_start3A_51 : memref<128xi32, #tpu.memory_space<vmem>>) semaphore(%arg13 : memref<!tpu.dma_semaphore, #tpu.memory_space<semaphore_mem>>) {add = true}
        %ge3A = arith.constant 1 : i32
        %ge3A_55 = arith.cmpi sge, %add3A_42, %ge3A : i32
        %convert_element_type3A = arith.extui %ge3A_55 : i1 to i32
        %cond3A = arith.constant 0 : i32
        %cond3A_56 = arith.cmpi ne, %convert_element_type3A, %cond3A : i32
        scf.if %cond3A_56 {
          %sub3A = arith.constant 1 : i32
          %sub3A_91 = arith.subi %add3A_42, %sub3A : i32
          %dma_wait3A_92 = arith.constant 0 : i32
          %dma_wait3A_93 = tpu.memref_slice %arg8[%sub3A_91, %dma_wait3A_92] : memref<40x128xi32, #tpu.memory_space<vmem>> -> memref<1x128xi32, #tpu.memory_space<vmem>>
          %dma_wait3A_94 = tpu.memref_squeeze %dma_wait3A_93 : memref<1x128xi32, #tpu.memory_space<vmem>> -> memref<128xi32, #tpu.memory_space<vmem>>
          %dma_wait3A_95 = arith.constant 0 : i32
          %dma_wait3A_96 = arith.constant 0 : i32
          %dma_wait3A_97 = tpu.memref_slice %arg15[%dma_wait3A_95, %dma_wait3A_96] : memref<10240x128xf32, #tpu.memory_space<vmem_shared>> -> memref<10240x128xf32, #tpu.memory_space<vmem_shared>>
          tpu.wait_indirect_dma semaphore(%arg14 : memref<!tpu.dma_semaphore, #tpu.memory_space<semaphore_mem>>) src(%arg10 : memref<128x128xf32, #tpu.memory_space<vmem>>) dst(%dma_wait3A_97 : memref<10240x128xf32, #tpu.memory_space<vmem_shared>>)
        } else {
        }
        %add3A_57 = arith.constant 1 : i32
        %add3A_58 = arith.addi %add3A_42, %add3A_57 : i32
        %lt3A = arith.constant 40 : i32
        %lt3A_59 = arith.cmpi slt, %add3A_58, %lt3A : i32
        %convert_element_type3A_60 = arith.extui %lt3A_59 : i1 to i32
        %cond3A_61 = arith.constant 0 : i32
        %cond3A_62 = arith.cmpi ne, %convert_element_type3A_60, %cond3A_61 : i32
        scf.if %cond3A_62 {
          %add3A_91 = arith.constant 1 : i32
          %add3A_92 = arith.addi %add3A_42, %add3A_91 : i32
          %dma_start3A_93 = arith.constant 0 : i32
          %dma_start3A_94 = tpu.memref_slice %arg7[%add3A_92, %dma_start3A_93] : memref<40x128xi32, #tpu.memory_space<vmem>> -> memref<1x128xi32, #tpu.memory_space<vmem>>
          %dma_start3A_95 = tpu.memref_squeeze %dma_start3A_94 : memref<1x128xi32, #tpu.memory_space<vmem>> -> memref<128xi32, #tpu.memory_space<vmem>>
          %dma_start3A_96 = arith.constant 0 : i32
          %dma_start3A_97 = arith.constant 0 : i32
          %dma_start3A_98 = tpu.memref_slice %arg2[%dma_start3A_96, %dma_start3A_97] : memref<10240x128xf32, #tpu.memory_space<hbm>> -> memref<10240x128xf32, #tpu.memory_space<hbm>>
          tpu.enqueue_indirect_dma source(%dma_start3A_98 : memref<10240x128xf32, #tpu.memory_space<hbm>>) target(%arg10 : memref<128x128xf32, #tpu.memory_space<vmem>>) offsets(%dma_start3A_95 : memref<128xi32, #tpu.memory_space<vmem>>) semaphore(%arg12 : memref<!tpu.dma_semaphore, #tpu.memory_space<semaphore_mem>>)
        } else {
        }
        %mul3A_63 = arith.constant 2 : i32
        %mul3A_64 = arith.muli %mul3A_63, %add3A_38 : i32
        %add3A_65 = arith.constant 1 : i32
        %add3A_66 = arith.addi %mul3A_64, %add3A_65 : i32
        %dma_wait3A_67 = arith.constant 0 : i32
        %dma_wait3A_68 = tpu.memref_slice %arg7[%add3A_66, %dma_wait3A_67] : memref<40x128xi32, #tpu.memory_space<vmem>> -> memref<1x128xi32, #tpu.memory_space<vmem>>
        %dma_wait3A_69 = tpu.memref_squeeze %dma_wait3A_68 : memref<1x128xi32, #tpu.memory_space<vmem>> -> memref<128xi32, #tpu.memory_space<vmem>>
        %dma_wait3A_70 = arith.constant 0 : i32
        %dma_wait3A_71 = arith.constant 0 : i32
        %dma_wait3A_72 = tpu.memref_slice %arg2[%dma_wait3A_70, %dma_wait3A_71] : memref<10240x128xf32, #tpu.memory_space<hbm>> -> memref<10240x128xf32, #tpu.memory_space<hbm>>
        tpu.wait_indirect_dma semaphore(%arg12 : memref<!tpu.dma_semaphore, #tpu.memory_space<semaphore_mem>>) src(%dma_wait3A_72 : memref<10240x128xf32, #tpu.memory_space<hbm>>) dst(%arg10 : memref<128x128xf32, #tpu.memory_space<vmem>>)
        %dma_start3A_73 = arith.constant 0 : i32
        %dma_start3A_74 = tpu.memref_slice %arg8[%add3A_66, %dma_start3A_73] : memref<40x128xi32, #tpu.memory_space<vmem>> -> memref<1x128xi32, #tpu.memory_space<vmem>>
        %dma_start3A_75 = tpu.memref_squeeze %dma_start3A_74 : memref<1x128xi32, #tpu.memory_space<vmem>> -> memref<128xi32, #tpu.memory_space<vmem>>
        %dma_start3A_76 = arith.constant 0 : i32
        %dma_start3A_77 = arith.constant 0 : i32
        %dma_start3A_78 = tpu.memref_slice %arg15[%dma_start3A_76, %dma_start3A_77] : memref<10240x128xf32, #tpu.memory_space<vmem_shared>> -> memref<10240x128xf32, #tpu.memory_space<vmem_shared>>
        tpu.enqueue_indirect_dma source(%arg10 : memref<128x128xf32, #tpu.memory_space<vmem>>) target(%dma_start3A_78 : memref<10240x128xf32, #tpu.memory_space<vmem_shared>>) offsets(%dma_start3A_75 : memref<128xi32, #tpu.memory_space<vmem>>) semaphore(%arg14 : memref<!tpu.dma_semaphore, #tpu.memory_space<semaphore_mem>>) {add = true}
        %ge3A_79 = arith.constant 1 : i32
        %ge3A_80 = arith.cmpi sge, %add3A_66, %ge3A_79 : i32
        %convert_element_type3A_81 = arith.extui %ge3A_80 : i1 to i32
        %cond3A_82 = arith.constant 0 : i32
        %cond3A_83 = arith.cmpi ne, %convert_element_type3A_81, %cond3A_82 : i32
        scf.if %cond3A_83 {
          %sub3A = arith.constant 1 : i32
          %sub3A_91 = arith.subi %add3A_66, %sub3A : i32
          %dma_wait3A_92 = arith.constant 0 : i32
          %dma_wait3A_93 = tpu.memref_slice %arg8[%sub3A_91, %dma_wait3A_92] : memref<40x128xi32, #tpu.memory_space<vmem>> -> memref<1x128xi32, #tpu.memory_space<vmem>>
          %dma_wait3A_94 = tpu.memref_squeeze %dma_wait3A_93 : memref<1x128xi32, #tpu.memory_space<vmem>> -> memref<128xi32, #tpu.memory_space<vmem>>
          %dma_wait3A_95 = arith.constant 0 : i32
          %dma_wait3A_96 = arith.constant 0 : i32
          %dma_wait3A_97 = tpu.memref_slice %arg15[%dma_wait3A_95, %dma_wait3A_96] : memref<10240x128xf32, #tpu.memory_space<vmem_shared>> -> memref<10240x128xf32, #tpu.memory_space<vmem_shared>>
          tpu.wait_indirect_dma semaphore(%arg13 : memref<!tpu.dma_semaphore, #tpu.memory_space<semaphore_mem>>) src(%arg9 : memref<128x128xf32, #tpu.memory_space<vmem>>) dst(%dma_wait3A_97 : memref<10240x128xf32, #tpu.memory_space<vmem_shared>>)
        } else {
        }
        %add3A_84 = arith.constant 1 : i32
        %add3A_85 = arith.addi %add3A_66, %add3A_84 : i32
        %lt3A_86 = arith.constant 40 : i32
        %lt3A_87 = arith.cmpi slt, %add3A_85, %lt3A_86 : i32
        %convert_element_type3A_88 = arith.extui %lt3A_87 : i1 to i32
        %cond3A_89 = arith.constant 0 : i32
        %cond3A_90 = arith.cmpi ne, %convert_element_type3A_88, %cond3A_89 : i32
        scf.if %cond3A_90 {
          %add3A_91 = arith.constant 1 : i32
          %add3A_92 = arith.addi %add3A_66, %add3A_91 : i32
          %dma_start3A_93 = arith.constant 0 : i32
          %dma_start3A_94 = tpu.memref_slice %arg7[%add3A_92, %dma_start3A_93] : memref<40x128xi32, #tpu.memory_space<vmem>> -> memref<1x128xi32, #tpu.memory_space<vmem>>
          %dma_start3A_95 = tpu.memref_squeeze %dma_start3A_94 : memref<1x128xi32, #tpu.memory_space<vmem>> -> memref<128xi32, #tpu.memory_space<vmem>>
          %dma_start3A_96 = arith.constant 0 : i32
          %dma_start3A_97 = arith.constant 0 : i32
          %dma_start3A_98 = tpu.memref_slice %arg2[%dma_start3A_96, %dma_start3A_97] : memref<10240x128xf32, #tpu.memory_space<hbm>> -> memref<10240x128xf32, #tpu.memory_space<hbm>>
          tpu.enqueue_indirect_dma source(%dma_start3A_98 : memref<10240x128xf32, #tpu.memory_space<hbm>>) target(%arg9 : memref<128x128xf32, #tpu.memory_space<vmem>>) offsets(%dma_start3A_95 : memref<128xi32, #tpu.memory_space<vmem>>) semaphore(%arg11 : memref<!tpu.dma_semaphore, #tpu.memory_space<semaphore_mem>>)
        } else {
        }
      }
      %scan3A_27 = arith.constant 20 : i32
      %dma_wait3A = arith.constant 39 : i32
      %dma_wait3A_28 = arith.constant 0 : i32
      %dma_wait3A_29 = tpu.memref_slice %arg8[%dma_wait3A, %dma_wait3A_28] : memref<40x128xi32, #tpu.memory_space<vmem>> -> memref<1x128xi32, #tpu.memory_space<vmem>>
      %dma_wait3A_30 = tpu.memref_squeeze %dma_wait3A_29 : memref<1x128xi32, #tpu.memory_space<vmem>> -> memref<128xi32, #tpu.memory_space<vmem>>
      %dma_wait3A_31 = arith.constant 0 : i32
      %dma_wait3A_32 = arith.constant 0 : i32
      %dma_wait3A_33 = tpu.memref_slice %arg15[%dma_wait3A_31, %dma_wait3A_32] : memref<10240x128xf32, #tpu.memory_space<vmem_shared>> -> memref<10240x128xf32, #tpu.memory_space<vmem_shared>>
      tpu.wait_indirect_dma semaphore(%arg14 : memref<!tpu.dma_semaphore, #tpu.memory_space<semaphore_mem>>) src(%arg10 : memref<128x128xf32, #tpu.memory_space<vmem>>) dst(%dma_wait3A_33 : memref<10240x128xf32, #tpu.memory_space<vmem_shared>>)
    }
    %scan3A_6 = arith.constant 2 : i32
    %barrier3A_7 = arith.constant 0 : index
    tpu.barrier barrier_id(%barrier3A_7)
    "tpu.region"() ({
      %run_scoped3A = tpu.sem_alloc : memref<!tpu.dma_semaphore, #tpu.memory_space<semaphore_mem>>
      %dma_start3A = arith.constant 0 : i32
      %dma_start3A_8 = tpu.memref_slice %arg6[%arg0, %mul3A_2, %dma_start3A] : memref<2x10240x128xf32, #tpu.memory_space<hbm>> -> memref<1x640x128xf32, #tpu.memory_space<hbm>>
      %dma_start3A_9 = tpu.memref_squeeze %dma_start3A_8 : memref<1x640x128xf32, #tpu.memory_space<hbm>> -> memref<640x128xf32, #tpu.memory_space<hbm>>
      %dma_start3A_10 = arith.constant 0 : i32
      %dma_start3A_11 = tpu.memref_slice %arg15[%mul3A_2, %dma_start3A_10] : memref<10240x128xf32, #tpu.memory_space<vmem_shared>> -> memref<640x128xf32, #tpu.memory_space<vmem_shared>>
      tpu.enqueue_dma source(%dma_start3A_11 : memref<640x128xf32, #tpu.memory_space<vmem_shared>>) target(%dma_start3A_9 : memref<640x128xf32, #tpu.memory_space<hbm>>) target_semaphore(%run_scoped3A : memref<!tpu.dma_semaphore, #tpu.memory_space<semaphore_mem>>)
      %dma_wait3A = arith.constant 0 : i32
      %dma_wait3A_12 = tpu.memref_slice %arg6[%arg0, %mul3A_2, %dma_wait3A] : memref<2x10240x128xf32, #tpu.memory_space<hbm>> -> memref<1x640x128xf32, #tpu.memory_space<hbm>>
      %dma_wait3A_13 = tpu.memref_squeeze %dma_wait3A_12 : memref<1x640x128xf32, #tpu.memory_space<hbm>> -> memref<640x128xf32, #tpu.memory_space<hbm>>
      %dma_wait3A_14 = arith.constant 0 : i32
      %dma_wait3A_15 = tpu.memref_slice %arg15[%mul3A_2, %dma_wait3A_14] : memref<10240x128xf32, #tpu.memory_space<vmem_shared>> -> memref<640x128xf32, #tpu.memory_space<vmem_shared>>
      tpu.wait_dma2 semaphore(%run_scoped3A : memref<!tpu.dma_semaphore, #tpu.memory_space<semaphore_mem>>) src(%dma_wait3A_15 : memref<640x128xf32, #tpu.memory_space<vmem_shared>>) dst(%dma_wait3A_13 : memref<640x128xf32, #tpu.memory_space<hbm>>)
      tpu.yield
    }) : () -> ()
    return
  }
}

#map = affine_map<(d0, d1) -> (0, 0, 0)>
#map1 = affine_map<(d0, d1) -> (0, 0)>
module attributes {stable_mosaic.version = 14 : i64} {
  func.func @_sc_count_body(%arg0: i32, %arg1: i32, %arg2: memref<32x80x128xi32, #tpu.memory_space<hbm>>, %arg3: memref<128x128xf32, #tpu.memory_space<hbm>>, %arg4: memref<10240x128xf32, #tpu.memory_space<hbm>>, %arg5: memref<2x10240x128xf32, #tpu.memory_space<hbm>>, %arg6: memref<80x128xi32, #tpu.memory_space<vmem>>, %arg7: memref<128x128xf32, #tpu.memory_space<vmem>>, %arg8: memref<!tpu.dma_semaphore, #tpu.memory_space<semaphore_mem>>, %arg9: memref<10240x128xf32, #tpu.memory_space<vmem_shared>>) attributes {dimension_semantics = [#tpu.dimension_semantics<core_parallel>, #tpu.dimension_semantics<subcore_parallel>], iteration_bounds = array<i64: 2, 16>, scalar_prefetch = 0 : i64, scratch_operands = 4 : i64, tpu.core_type = #tpu.core_type<sc_vector_subcore>, window_params = [{transform_indices = #map}, {transform_indices = #map1}, {transform_indices = #map1}, {transform_indices = #map}]} {
    %mul3A = arith.constant 16 : i32
    %mul3A_0 = arith.muli %arg0, %mul3A : i32
    %add3A = arith.addi %mul3A_0, %arg1 : i32
    %mul3A_1 = arith.constant 640 : i32
    %mul3A_2 = arith.muli %arg1, %mul3A_1 : i32
    "tpu.region"() ({
      %run_scoped3A = tpu.sem_alloc : memref<!tpu.dma_semaphore, #tpu.memory_space<semaphore_mem>>
      %dma_start3A = arith.constant 0 : i32
      %dma_start3A_14 = arith.constant 0 : i32
      %dma_start3A_15 = tpu.memref_slice %arg2[%add3A, %dma_start3A, %dma_start3A_14] : memref<32x80x128xi32, #tpu.memory_space<hbm>> -> memref<1x80x128xi32, #tpu.memory_space<hbm>>
      %dma_start3A_16 = tpu.memref_squeeze %dma_start3A_15 : memref<1x80x128xi32, #tpu.memory_space<hbm>> -> memref<80x128xi32, #tpu.memory_space<hbm>>
      %dma_start3A_17 = arith.constant 0 : i32
      %dma_start3A_18 = arith.constant 0 : i32
      %dma_start3A_19 = tpu.memref_slice %arg2[%add3A, %dma_start3A_17, %dma_start3A_18] : memref<32x80x128xi32, #tpu.memory_space<hbm>> -> memref<1x80x128xi32, #tpu.memory_space<hbm>>
      %dma_start3A_20 = tpu.memref_squeeze %dma_start3A_19 : memref<1x80x128xi32, #tpu.memory_space<hbm>> -> memref<80x128xi32, #tpu.memory_space<hbm>>
      tpu.enqueue_dma source(%dma_start3A_20 : memref<80x128xi32, #tpu.memory_space<hbm>>) target(%arg6 : memref<80x128xi32, #tpu.memory_space<vmem>>) target_semaphore(%run_scoped3A : memref<!tpu.dma_semaphore, #tpu.memory_space<semaphore_mem>>)
      %dma_wait3A_21 = arith.constant 0 : i32
      %dma_wait3A_22 = arith.constant 0 : i32
      %dma_wait3A_23 = tpu.memref_slice %arg2[%add3A, %dma_wait3A_21, %dma_wait3A_22] : memref<32x80x128xi32, #tpu.memory_space<hbm>> -> memref<1x80x128xi32, #tpu.memory_space<hbm>>
      %dma_wait3A_24 = tpu.memref_squeeze %dma_wait3A_23 : memref<1x80x128xi32, #tpu.memory_space<hbm>> -> memref<80x128xi32, #tpu.memory_space<hbm>>
      %dma_wait3A_25 = arith.constant 0 : i32
      %dma_wait3A_26 = arith.constant 0 : i32
      %dma_wait3A_27 = tpu.memref_slice %arg2[%add3A, %dma_wait3A_25, %dma_wait3A_26] : memref<32x80x128xi32, #tpu.memory_space<hbm>> -> memref<1x80x128xi32, #tpu.memory_space<hbm>>
      %dma_wait3A_28 = tpu.memref_squeeze %dma_wait3A_27 : memref<1x80x128xi32, #tpu.memory_space<hbm>> -> memref<80x128xi32, #tpu.memory_space<hbm>>
      tpu.wait_dma2 semaphore(%run_scoped3A : memref<!tpu.dma_semaphore, #tpu.memory_space<semaphore_mem>>) src(%dma_wait3A_28 : memref<80x128xi32, #tpu.memory_space<hbm>>) dst(%arg6 : memref<80x128xi32, #tpu.memory_space<vmem>>)
      tpu.yield
    }) : () -> ()
    "tpu.region"() ({
      %run_scoped3A = tpu.sem_alloc : memref<!tpu.dma_semaphore, #tpu.memory_space<semaphore_mem>>
      %dma_start3A = arith.constant 0 : i32
      %dma_start3A_14 = tpu.memref_slice %arg9[%mul3A_2, %dma_start3A] : memref<10240x128xf32, #tpu.memory_space<vmem_shared>> -> memref<640x128xf32, #tpu.memory_space<vmem_shared>>
      %dma_start3A_15 = arith.constant 0 : i32
      %dma_start3A_16 = tpu.memref_slice %arg4[%mul3A_2, %dma_start3A_15] : memref<10240x128xf32, #tpu.memory_space<hbm>> -> memref<640x128xf32, #tpu.memory_space<hbm>>
      tpu.enqueue_dma source(%dma_start3A_16 : memref<640x128xf32, #tpu.memory_space<hbm>>) target(%dma_start3A_14 : memref<640x128xf32, #tpu.memory_space<vmem_shared>>) target_semaphore(%run_scoped3A : memref<!tpu.dma_semaphore, #tpu.memory_space<semaphore_mem>>)
      %dma_wait3A_17 = arith.constant 0 : i32
      %dma_wait3A_18 = tpu.memref_slice %arg9[%mul3A_2, %dma_wait3A_17] : memref<10240x128xf32, #tpu.memory_space<vmem_shared>> -> memref<640x128xf32, #tpu.memory_space<vmem_shared>>
      %dma_wait3A_19 = arith.constant 0 : i32
      %dma_wait3A_20 = tpu.memref_slice %arg4[%mul3A_2, %dma_wait3A_19] : memref<10240x128xf32, #tpu.memory_space<hbm>> -> memref<640x128xf32, #tpu.memory_space<hbm>>
      tpu.wait_dma2 semaphore(%run_scoped3A : memref<!tpu.dma_semaphore, #tpu.memory_space<semaphore_mem>>) src(%dma_wait3A_20 : memref<640x128xf32, #tpu.memory_space<hbm>>) dst(%dma_wait3A_18 : memref<640x128xf32, #tpu.memory_space<vmem_shared>>)
      tpu.yield
    }) : () -> ()
    "tpu.region"() ({
      %run_scoped3A = tpu.sem_alloc : memref<!tpu.dma_semaphore, #tpu.memory_space<semaphore_mem>>
      tpu.enqueue_dma source(%arg3 : memref<128x128xf32, #tpu.memory_space<hbm>>) target(%arg7 : memref<128x128xf32, #tpu.memory_space<vmem>>) target_semaphore(%run_scoped3A : memref<!tpu.dma_semaphore, #tpu.memory_space<semaphore_mem>>)
      tpu.wait_dma2 semaphore(%run_scoped3A : memref<!tpu.dma_semaphore, #tpu.memory_space<semaphore_mem>>) src(%arg3 : memref<128x128xf32, #tpu.memory_space<hbm>>) dst(%arg7 : memref<128x128xf32, #tpu.memory_space<vmem>>)
      tpu.yield
    }) : () -> ()
    %barrier3A = arith.constant 0 : index
    tpu.barrier barrier_id(%barrier3A)
    %scan3A = arith.constant 0 : i32
    %scan3A_3 = arith.constant 80 : i32
    %scan3A_4 = arith.addi %scan3A, %scan3A_3 : i32
    %scan3A_5 = arith.constant 1 : i32
    scf.for %scan3A_14 = %scan3A to %scan3A_4 step %scan3A_5  : i32 {
      %mul3A_15 = arith.constant 1 : i32
      %mul3A_16 = arith.muli %scan3A_14, %mul3A_15 : i32
      %add3A_17 = arith.constant 0 : i32
      %add3A_18 = arith.addi %add3A_17, %mul3A_16 : i32
      %dma_start3A = arith.constant 0 : i32
      %dma_start3A_19 = tpu.memref_slice %arg6[%add3A_18, %dma_start3A] : memref<80x128xi32, #tpu.memory_space<vmem>> -> memref<1x128xi32, #tpu.memory_space<vmem>>
      %dma_start3A_20 = tpu.memref_squeeze %dma_start3A_19 : memref<1x128xi32, #tpu.memory_space<vmem>> -> memref<128xi32, #tpu.memory_space<vmem>>
      %dma_start3A_21 = arith.constant 0 : i32
      %dma_start3A_22 = arith.constant 0 : i32
      %dma_start3A_23 = tpu.memref_slice %arg9[%dma_start3A_21, %dma_start3A_22] : memref<10240x128xf32, #tpu.memory_space<vmem_shared>> -> memref<10240x128xf32, #tpu.memory_space<vmem_shared>>
      tpu.enqueue_indirect_dma source(%arg7 : memref<128x128xf32, #tpu.memory_space<vmem>>) target(%dma_start3A_23 : memref<10240x128xf32, #tpu.memory_space<vmem_shared>>) offsets(%dma_start3A_20 : memref<128xi32, #tpu.memory_space<vmem>>) semaphore(%arg8 : memref<!tpu.dma_semaphore, #tpu.memory_space<semaphore_mem>>) {add = true}
      %gt3A = arith.constant 0 : i32
      %gt3A_24 = arith.cmpi sgt, %add3A_18, %gt3A : i32
      %convert_element_type3A = arith.extui %gt3A_24 : i1 to i32
      %cond3A = arith.constant 0 : i32
      %cond3A_25 = arith.cmpi ne, %convert_element_type3A, %cond3A : i32
      scf.if %cond3A_25 {
        %dma_wait3A_26 = arith.constant 0 : i32
        %dma_wait3A_27 = tpu.memref_slice %arg6[%add3A_18, %dma_wait3A_26] : memref<80x128xi32, #tpu.memory_space<vmem>> -> memref<1x128xi32, #tpu.memory_space<vmem>>
        %dma_wait3A_28 = tpu.memref_squeeze %dma_wait3A_27 : memref<1x128xi32, #tpu.memory_space<vmem>> -> memref<128xi32, #tpu.memory_space<vmem>>
        %dma_wait3A_29 = arith.constant 0 : i32
        %dma_wait3A_30 = arith.constant 0 : i32
        %dma_wait3A_31 = tpu.memref_slice %arg9[%dma_wait3A_29, %dma_wait3A_30] : memref<10240x128xf32, #tpu.memory_space<vmem_shared>> -> memref<10240x128xf32, #tpu.memory_space<vmem_shared>>
        tpu.wait_indirect_dma semaphore(%arg8 : memref<!tpu.dma_semaphore, #tpu.memory_space<semaphore_mem>>) src(%arg7 : memref<128x128xf32, #tpu.memory_space<vmem>>) dst(%dma_wait3A_31 : memref<10240x128xf32, #tpu.memory_space<vmem_shared>>)
      } else {
      }
    }
    %scan3A_6 = arith.constant 80 : i32
    %dma_wait3A = arith.constant 0 : i32
    %dma_wait3A_7 = arith.constant 0 : i32
    %dma_wait3A_8 = tpu.memref_slice %arg6[%dma_wait3A, %dma_wait3A_7] : memref<80x128xi32, #tpu.memory_space<vmem>> -> memref<1x128xi32, #tpu.memory_space<vmem>>
    %dma_wait3A_9 = tpu.memref_squeeze %dma_wait3A_8 : memref<1x128xi32, #tpu.memory_space<vmem>> -> memref<128xi32, #tpu.memory_space<vmem>>
    %dma_wait3A_10 = arith.constant 0 : i32
    %dma_wait3A_11 = arith.constant 0 : i32
    %dma_wait3A_12 = tpu.memref_slice %arg9[%dma_wait3A_10, %dma_wait3A_11] : memref<10240x128xf32, #tpu.memory_space<vmem_shared>> -> memref<10240x128xf32, #tpu.memory_space<vmem_shared>>
    tpu.wait_indirect_dma semaphore(%arg8 : memref<!tpu.dma_semaphore, #tpu.memory_space<semaphore_mem>>) src(%arg7 : memref<128x128xf32, #tpu.memory_space<vmem>>) dst(%dma_wait3A_12 : memref<10240x128xf32, #tpu.memory_space<vmem_shared>>)
    %barrier3A_13 = arith.constant 0 : index
    tpu.barrier barrier_id(%barrier3A_13)
    "tpu.region"() ({
      %run_scoped3A = tpu.sem_alloc : memref<!tpu.dma_semaphore, #tpu.memory_space<semaphore_mem>>
      %dma_start3A = arith.constant 0 : i32
      %dma_start3A_14 = tpu.memref_slice %arg5[%arg0, %mul3A_2, %dma_start3A] : memref<2x10240x128xf32, #tpu.memory_space<hbm>> -> memref<1x640x128xf32, #tpu.memory_space<hbm>>
      %dma_start3A_15 = tpu.memref_squeeze %dma_start3A_14 : memref<1x640x128xf32, #tpu.memory_space<hbm>> -> memref<640x128xf32, #tpu.memory_space<hbm>>
      %dma_start3A_16 = arith.constant 0 : i32
      %dma_start3A_17 = tpu.memref_slice %arg9[%mul3A_2, %dma_start3A_16] : memref<10240x128xf32, #tpu.memory_space<vmem_shared>> -> memref<640x128xf32, #tpu.memory_space<vmem_shared>>
      tpu.enqueue_dma source(%dma_start3A_17 : memref<640x128xf32, #tpu.memory_space<vmem_shared>>) target(%dma_start3A_15 : memref<640x128xf32, #tpu.memory_space<hbm>>) target_semaphore(%run_scoped3A : memref<!tpu.dma_semaphore, #tpu.memory_space<semaphore_mem>>)
      %dma_wait3A_18 = arith.constant 0 : i32
      %dma_wait3A_19 = tpu.memref_slice %arg5[%arg0, %mul3A_2, %dma_wait3A_18] : memref<2x10240x128xf32, #tpu.memory_space<hbm>> -> memref<1x640x128xf32, #tpu.memory_space<hbm>>
      %dma_wait3A_20 = tpu.memref_squeeze %dma_wait3A_19 : memref<1x640x128xf32, #tpu.memory_space<hbm>> -> memref<640x128xf32, #tpu.memory_space<hbm>>
      %dma_wait3A_21 = arith.constant 0 : i32
      %dma_wait3A_22 = tpu.memref_slice %arg9[%mul3A_2, %dma_wait3A_21] : memref<10240x128xf32, #tpu.memory_space<vmem_shared>> -> memref<640x128xf32, #tpu.memory_space<vmem_shared>>
      tpu.wait_dma2 semaphore(%run_scoped3A : memref<!tpu.dma_semaphore, #tpu.memory_space<semaphore_mem>>) src(%dma_wait3A_22 : memref<640x128xf32, #tpu.memory_space<vmem_shared>>) dst(%dma_wait3A_20 : memref<640x128xf32, #tpu.memory_space<hbm>>)
      tpu.yield
    }) : () -> ()
    return
  }
}

#map = affine_map<(d0, d1) -> (0, 0)>
#map1 = affine_map<(d0, d1) -> (0, 0, 0)>
module attributes {stable_mosaic.version = 14 : i64} {
  func.func @_sc_agg_body(%arg0: i32, %arg1: i32, %arg2: memref<10240x128xf32, #tpu.memory_space<hbm>>, %arg3: memref<32x80x128xi32, #tpu.memory_space<hbm>>, %arg4: memref<32x80x128xi32, #tpu.memory_space<hbm>>, %arg5: memref<10240x128xf32, #tpu.memory_space<hbm>>, %arg6: memref<2x10240x128xf32, #tpu.memory_space<hbm>>, %arg7: memref<40x128xi32, #tpu.memory_space<vmem>>, %arg8: memref<40x128xi32, #tpu.memory_space<vmem>>, %arg9: memref<128x128xf32, #tpu.memory_space<vmem>>, %arg10: memref<128x128xf32, #tpu.memory_space<vmem>>, %arg11: memref<!tpu.dma_semaphore, #tpu.memory_space<semaphore_mem>>, %arg12: memref<!tpu.dma_semaphore, #tpu.memory_space<semaphore_mem>>, %arg13: memref<!tpu.dma_semaphore, #tpu.memory_space<semaphore_mem>>, %arg14: memref<!tpu.dma_semaphore, #tpu.memory_space<semaphore_mem>>, %arg15: memref<10240x128xf32, #tpu.memory_space<vmem_shared>>) attributes {dimension_semantics = [#tpu.dimension_semantics<core_parallel>, #tpu.dimension_semantics<subcore_parallel>], iteration_bounds = array<i64: 2, 16>, scalar_prefetch = 0 : i64, scratch_operands = 9 : i64, tpu.core_type = #tpu.core_type<sc_vector_subcore>, window_params = [{transform_indices = #map}, {transform_indices = #map1}, {transform_indices = #map1}, {transform_indices = #map}, {transform_indices = #map1}]} {
    %mul3A = arith.constant 16 : i32
    %mul3A_0 = arith.muli %arg0, %mul3A : i32
    %add3A = arith.addi %mul3A_0, %arg1 : i32
    %mul3A_1 = arith.constant 640 : i32
    %mul3A_2 = arith.muli %arg1, %mul3A_1 : i32
    "tpu.region"() ({
      %run_scoped3A = tpu.sem_alloc : memref<!tpu.dma_semaphore, #tpu.memory_space<semaphore_mem>>
      %dma_start3A = arith.constant 0 : i32
      %dma_start3A_8 = tpu.memref_slice %arg15[%mul3A_2, %dma_start3A] : memref<10240x128xf32, #tpu.memory_space<vmem_shared>> -> memref<640x128xf32, #tpu.memory_space<vmem_shared>>
      %dma_start3A_9 = arith.constant 0 : i32
      %dma_start3A_10 = tpu.memref_slice %arg5[%mul3A_2, %dma_start3A_9] : memref<10240x128xf32, #tpu.memory_space<hbm>> -> memref<640x128xf32, #tpu.memory_space<hbm>>
      tpu.enqueue_dma source(%dma_start3A_10 : memref<640x128xf32, #tpu.memory_space<hbm>>) target(%dma_start3A_8 : memref<640x128xf32, #tpu.memory_space<vmem_shared>>) target_semaphore(%run_scoped3A : memref<!tpu.dma_semaphore, #tpu.memory_space<semaphore_mem>>)
      %dma_wait3A = arith.constant 0 : i32
      %dma_wait3A_11 = tpu.memref_slice %arg15[%mul3A_2, %dma_wait3A] : memref<10240x128xf32, #tpu.memory_space<vmem_shared>> -> memref<640x128xf32, #tpu.memory_space<vmem_shared>>
      %dma_wait3A_12 = arith.constant 0 : i32
      %dma_wait3A_13 = tpu.memref_slice %arg5[%mul3A_2, %dma_wait3A_12] : memref<10240x128xf32, #tpu.memory_space<hbm>> -> memref<640x128xf32, #tpu.memory_space<hbm>>
      tpu.wait_dma2 semaphore(%run_scoped3A : memref<!tpu.dma_semaphore, #tpu.memory_space<semaphore_mem>>) src(%dma_wait3A_13 : memref<640x128xf32, #tpu.memory_space<hbm>>) dst(%dma_wait3A_11 : memref<640x128xf32, #tpu.memory_space<vmem_shared>>)
      tpu.yield
    }) : () -> ()
    %barrier3A = arith.constant 0 : index
    tpu.barrier barrier_id(%barrier3A)
    %scan3A = arith.constant 0 : i32
    %scan3A_3 = arith.constant 2 : i32
    %scan3A_4 = arith.addi %scan3A, %scan3A_3 : i32
    %scan3A_5 = arith.constant 1 : i32
    scf.for %scan3A_8 = %scan3A to %scan3A_4 step %scan3A_5  : i32 {
      %mul3A_9 = arith.constant 1 : i32
      %mul3A_10 = arith.muli %scan3A_8, %mul3A_9 : i32
      %add3A_11 = arith.constant 0 : i32
      %add3A_12 = arith.addi %add3A_11, %mul3A_10 : i32
      %mul3A_13 = arith.constant 40 : i32
      %mul3A_14 = arith.muli %add3A_12, %mul3A_13 : i32
      "tpu.region"() ({
        %run_scoped3A = tpu.sem_alloc : memref<!tpu.dma_semaphore, #tpu.memory_space<semaphore_mem>>
        %dma_start3A_34 = arith.constant 0 : i32
        %dma_start3A_35 = tpu.memref_slice %arg3[%add3A, %mul3A_14, %dma_start3A_34] : memref<32x80x128xi32, #tpu.memory_space<hbm>> -> memref<1x40x128xi32, #tpu.memory_space<hbm>>
        %dma_start3A_36 = tpu.memref_squeeze %dma_start3A_35 : memref<1x40x128xi32, #tpu.memory_space<hbm>> -> memref<40x128xi32, #tpu.memory_space<hbm>>
        %dma_start3A_37 = arith.constant 0 : i32
        %dma_start3A_38 = tpu.memref_slice %arg3[%add3A, %mul3A_14, %dma_start3A_37] : memref<32x80x128xi32, #tpu.memory_space<hbm>> -> memref<1x40x128xi32, #tpu.memory_space<hbm>>
        %dma_start3A_39 = tpu.memref_squeeze %dma_start3A_38 : memref<1x40x128xi32, #tpu.memory_space<hbm>> -> memref<40x128xi32, #tpu.memory_space<hbm>>
        tpu.enqueue_dma source(%dma_start3A_39 : memref<40x128xi32, #tpu.memory_space<hbm>>) target(%arg7 : memref<40x128xi32, #tpu.memory_space<vmem>>) target_semaphore(%run_scoped3A : memref<!tpu.dma_semaphore, #tpu.memory_space<semaphore_mem>>)
        %dma_wait3A_40 = arith.constant 0 : i32
        %dma_wait3A_41 = tpu.memref_slice %arg3[%add3A, %mul3A_14, %dma_wait3A_40] : memref<32x80x128xi32, #tpu.memory_space<hbm>> -> memref<1x40x128xi32, #tpu.memory_space<hbm>>
        %dma_wait3A_42 = tpu.memref_squeeze %dma_wait3A_41 : memref<1x40x128xi32, #tpu.memory_space<hbm>> -> memref<40x128xi32, #tpu.memory_space<hbm>>
        %dma_wait3A_43 = arith.constant 0 : i32
        %dma_wait3A_44 = tpu.memref_slice %arg3[%add3A, %mul3A_14, %dma_wait3A_43] : memref<32x80x128xi32, #tpu.memory_space<hbm>> -> memref<1x40x128xi32, #tpu.memory_space<hbm>>
        %dma_wait3A_45 = tpu.memref_squeeze %dma_wait3A_44 : memref<1x40x128xi32, #tpu.memory_space<hbm>> -> memref<40x128xi32, #tpu.memory_space<hbm>>
        tpu.wait_dma2 semaphore(%run_scoped3A : memref<!tpu.dma_semaphore, #tpu.memory_space<semaphore_mem>>) src(%dma_wait3A_45 : memref<40x128xi32, #tpu.memory_space<hbm>>) dst(%arg7 : memref<40x128xi32, #tpu.memory_space<vmem>>)
        tpu.yield
      }) : () -> ()
      %mul3A_15 = arith.constant 40 : i32
      %mul3A_16 = arith.muli %add3A_12, %mul3A_15 : i32
      "tpu.region"() ({
        %run_scoped3A = tpu.sem_alloc : memref<!tpu.dma_semaphore, #tpu.memory_space<semaphore_mem>>
        %dma_start3A_34 = arith.constant 0 : i32
        %dma_start3A_35 = tpu.memref_slice %arg4[%add3A, %mul3A_16, %dma_start3A_34] : memref<32x80x128xi32, #tpu.memory_space<hbm>> -> memref<1x40x128xi32, #tpu.memory_space<hbm>>
        %dma_start3A_36 = tpu.memref_squeeze %dma_start3A_35 : memref<1x40x128xi32, #tpu.memory_space<hbm>> -> memref<40x128xi32, #tpu.memory_space<hbm>>
        %dma_start3A_37 = arith.constant 0 : i32
        %dma_start3A_38 = tpu.memref_slice %arg4[%add3A, %mul3A_16, %dma_start3A_37] : memref<32x80x128xi32, #tpu.memory_space<hbm>> -> memref<1x40x128xi32, #tpu.memory_space<hbm>>
        %dma_start3A_39 = tpu.memref_squeeze %dma_start3A_38 : memref<1x40x128xi32, #tpu.memory_space<hbm>> -> memref<40x128xi32, #tpu.memory_space<hbm>>
        tpu.enqueue_dma source(%dma_start3A_39 : memref<40x128xi32, #tpu.memory_space<hbm>>) target(%arg8 : memref<40x128xi32, #tpu.memory_space<vmem>>) target_semaphore(%run_scoped3A : memref<!tpu.dma_semaphore, #tpu.memory_space<semaphore_mem>>)
        %dma_wait3A_40 = arith.constant 0 : i32
        %dma_wait3A_41 = tpu.memref_slice %arg4[%add3A, %mul3A_16, %dma_wait3A_40] : memref<32x80x128xi32, #tpu.memory_space<hbm>> -> memref<1x40x128xi32, #tpu.memory_space<hbm>>
        %dma_wait3A_42 = tpu.memref_squeeze %dma_wait3A_41 : memref<1x40x128xi32, #tpu.memory_space<hbm>> -> memref<40x128xi32, #tpu.memory_space<hbm>>
        %dma_wait3A_43 = arith.constant 0 : i32
        %dma_wait3A_44 = tpu.memref_slice %arg4[%add3A, %mul3A_16, %dma_wait3A_43] : memref<32x80x128xi32, #tpu.memory_space<hbm>> -> memref<1x40x128xi32, #tpu.memory_space<hbm>>
        %dma_wait3A_45 = tpu.memref_squeeze %dma_wait3A_44 : memref<1x40x128xi32, #tpu.memory_space<hbm>> -> memref<40x128xi32, #tpu.memory_space<hbm>>
        tpu.wait_dma2 semaphore(%run_scoped3A : memref<!tpu.dma_semaphore, #tpu.memory_space<semaphore_mem>>) src(%dma_wait3A_45 : memref<40x128xi32, #tpu.memory_space<hbm>>) dst(%arg8 : memref<40x128xi32, #tpu.memory_space<vmem>>)
        tpu.yield
      }) : () -> ()
      %dma_start3A = arith.constant 0 : i32
      %dma_start3A_17 = arith.constant 0 : i32
      %dma_start3A_18 = tpu.memref_slice %arg7[%dma_start3A, %dma_start3A_17] : memref<40x128xi32, #tpu.memory_space<vmem>> -> memref<1x128xi32, #tpu.memory_space<vmem>>
      %dma_start3A_19 = tpu.memref_squeeze %dma_start3A_18 : memref<1x128xi32, #tpu.memory_space<vmem>> -> memref<128xi32, #tpu.memory_space<vmem>>
      %dma_start3A_20 = arith.constant 0 : i32
      %dma_start3A_21 = arith.constant 0 : i32
      %dma_start3A_22 = tpu.memref_slice %arg2[%dma_start3A_20, %dma_start3A_21] : memref<10240x128xf32, #tpu.memory_space<hbm>> -> memref<10240x128xf32, #tpu.memory_space<hbm>>
      tpu.enqueue_indirect_dma source(%dma_start3A_22 : memref<10240x128xf32, #tpu.memory_space<hbm>>) target(%arg9 : memref<128x128xf32, #tpu.memory_space<vmem>>) offsets(%dma_start3A_19 : memref<128xi32, #tpu.memory_space<vmem>>) semaphore(%arg11 : memref<!tpu.dma_semaphore, #tpu.memory_space<semaphore_mem>>)
      %scan3A_23 = arith.constant 0 : i32
      %scan3A_24 = arith.constant 20 : i32
      %scan3A_25 = arith.addi %scan3A_23, %scan3A_24 : i32
      %scan3A_26 = arith.constant 1 : i32
      scf.for %scan3A_34 = %scan3A_23 to %scan3A_25 step %scan3A_26  : i32 {
        %mul3A_35 = arith.constant 1 : i32
        %mul3A_36 = arith.muli %scan3A_34, %mul3A_35 : i32
        %add3A_37 = arith.constant 0 : i32
        %add3A_38 = arith.addi %add3A_37, %mul3A_36 : i32
        %mul3A_39 = arith.constant 2 : i32
        %mul3A_40 = arith.muli %mul3A_39, %add3A_38 : i32
        %add3A_41 = arith.constant 0 : i32
        %add3A_42 = arith.addi %mul3A_40, %add3A_41 : i32
        %dma_wait3A_43 = arith.constant 0 : i32
        %dma_wait3A_44 = tpu.memref_slice %arg7[%add3A_42, %dma_wait3A_43] : memref<40x128xi32, #tpu.memory_space<vmem>> -> memref<1x128xi32, #tpu.memory_space<vmem>>
        %dma_wait3A_45 = tpu.memref_squeeze %dma_wait3A_44 : memref<1x128xi32, #tpu.memory_space<vmem>> -> memref<128xi32, #tpu.memory_space<vmem>>
        %dma_wait3A_46 = arith.constant 0 : i32
        %dma_wait3A_47 = arith.constant 0 : i32
        %dma_wait3A_48 = tpu.memref_slice %arg2[%dma_wait3A_46, %dma_wait3A_47] : memref<10240x128xf32, #tpu.memory_space<hbm>> -> memref<10240x128xf32, #tpu.memory_space<hbm>>
        tpu.wait_indirect_dma semaphore(%arg11 : memref<!tpu.dma_semaphore, #tpu.memory_space<semaphore_mem>>) src(%dma_wait3A_48 : memref<10240x128xf32, #tpu.memory_space<hbm>>) dst(%arg9 : memref<128x128xf32, #tpu.memory_space<vmem>>)
        %dma_start3A_49 = arith.constant 0 : i32
        %dma_start3A_50 = tpu.memref_slice %arg8[%add3A_42, %dma_start3A_49] : memref<40x128xi32, #tpu.memory_space<vmem>> -> memref<1x128xi32, #tpu.memory_space<vmem>>
        %dma_start3A_51 = tpu.memref_squeeze %dma_start3A_50 : memref<1x128xi32, #tpu.memory_space<vmem>> -> memref<128xi32, #tpu.memory_space<vmem>>
        %dma_start3A_52 = arith.constant 0 : i32
        %dma_start3A_53 = arith.constant 0 : i32
        %dma_start3A_54 = tpu.memref_slice %arg15[%dma_start3A_52, %dma_start3A_53] : memref<10240x128xf32, #tpu.memory_space<vmem_shared>> -> memref<10240x128xf32, #tpu.memory_space<vmem_shared>>
        tpu.enqueue_indirect_dma source(%arg9 : memref<128x128xf32, #tpu.memory_space<vmem>>) target(%dma_start3A_54 : memref<10240x128xf32, #tpu.memory_space<vmem_shared>>) offsets(%dma_start3A_51 : memref<128xi32, #tpu.memory_space<vmem>>) semaphore(%arg13 : memref<!tpu.dma_semaphore, #tpu.memory_space<semaphore_mem>>) {add = true}
        %ge3A = arith.constant 1 : i32
        %ge3A_55 = arith.cmpi sge, %add3A_42, %ge3A : i32
        %convert_element_type3A = arith.extui %ge3A_55 : i1 to i32
        %cond3A = arith.constant 0 : i32
        %cond3A_56 = arith.cmpi ne, %convert_element_type3A, %cond3A : i32
        scf.if %cond3A_56 {
          %sub3A = arith.constant 1 : i32
          %sub3A_91 = arith.subi %add3A_42, %sub3A : i32
          %dma_wait3A_92 = arith.constant 0 : i32
          %dma_wait3A_93 = tpu.memref_slice %arg8[%sub3A_91, %dma_wait3A_92] : memref<40x128xi32, #tpu.memory_space<vmem>> -> memref<1x128xi32, #tpu.memory_space<vmem>>
          %dma_wait3A_94 = tpu.memref_squeeze %dma_wait3A_93 : memref<1x128xi32, #tpu.memory_space<vmem>> -> memref<128xi32, #tpu.memory_space<vmem>>
          %dma_wait3A_95 = arith.constant 0 : i32
          %dma_wait3A_96 = arith.constant 0 : i32
          %dma_wait3A_97 = tpu.memref_slice %arg15[%dma_wait3A_95, %dma_wait3A_96] : memref<10240x128xf32, #tpu.memory_space<vmem_shared>> -> memref<10240x128xf32, #tpu.memory_space<vmem_shared>>
          tpu.wait_indirect_dma semaphore(%arg14 : memref<!tpu.dma_semaphore, #tpu.memory_space<semaphore_mem>>) src(%arg10 : memref<128x128xf32, #tpu.memory_space<vmem>>) dst(%dma_wait3A_97 : memref<10240x128xf32, #tpu.memory_space<vmem_shared>>)
        } else {
        }
        %add3A_57 = arith.constant 1 : i32
        %add3A_58 = arith.addi %add3A_42, %add3A_57 : i32
        %lt3A = arith.constant 40 : i32
        %lt3A_59 = arith.cmpi slt, %add3A_58, %lt3A : i32
        %convert_element_type3A_60 = arith.extui %lt3A_59 : i1 to i32
        %cond3A_61 = arith.constant 0 : i32
        %cond3A_62 = arith.cmpi ne, %convert_element_type3A_60, %cond3A_61 : i32
        scf.if %cond3A_62 {
          %add3A_91 = arith.constant 1 : i32
          %add3A_92 = arith.addi %add3A_42, %add3A_91 : i32
          %dma_start3A_93 = arith.constant 0 : i32
          %dma_start3A_94 = tpu.memref_slice %arg7[%add3A_92, %dma_start3A_93] : memref<40x128xi32, #tpu.memory_space<vmem>> -> memref<1x128xi32, #tpu.memory_space<vmem>>
          %dma_start3A_95 = tpu.memref_squeeze %dma_start3A_94 : memref<1x128xi32, #tpu.memory_space<vmem>> -> memref<128xi32, #tpu.memory_space<vmem>>
          %dma_start3A_96 = arith.constant 0 : i32
          %dma_start3A_97 = arith.constant 0 : i32
          %dma_start3A_98 = tpu.memref_slice %arg2[%dma_start3A_96, %dma_start3A_97] : memref<10240x128xf32, #tpu.memory_space<hbm>> -> memref<10240x128xf32, #tpu.memory_space<hbm>>
          tpu.enqueue_indirect_dma source(%dma_start3A_98 : memref<10240x128xf32, #tpu.memory_space<hbm>>) target(%arg10 : memref<128x128xf32, #tpu.memory_space<vmem>>) offsets(%dma_start3A_95 : memref<128xi32, #tpu.memory_space<vmem>>) semaphore(%arg12 : memref<!tpu.dma_semaphore, #tpu.memory_space<semaphore_mem>>)
        } else {
        }
        %mul3A_63 = arith.constant 2 : i32
        %mul3A_64 = arith.muli %mul3A_63, %add3A_38 : i32
        %add3A_65 = arith.constant 1 : i32
        %add3A_66 = arith.addi %mul3A_64, %add3A_65 : i32
        %dma_wait3A_67 = arith.constant 0 : i32
        %dma_wait3A_68 = tpu.memref_slice %arg7[%add3A_66, %dma_wait3A_67] : memref<40x128xi32, #tpu.memory_space<vmem>> -> memref<1x128xi32, #tpu.memory_space<vmem>>
        %dma_wait3A_69 = tpu.memref_squeeze %dma_wait3A_68 : memref<1x128xi32, #tpu.memory_space<vmem>> -> memref<128xi32, #tpu.memory_space<vmem>>
        %dma_wait3A_70 = arith.constant 0 : i32
        %dma_wait3A_71 = arith.constant 0 : i32
        %dma_wait3A_72 = tpu.memref_slice %arg2[%dma_wait3A_70, %dma_wait3A_71] : memref<10240x128xf32, #tpu.memory_space<hbm>> -> memref<10240x128xf32, #tpu.memory_space<hbm>>
        tpu.wait_indirect_dma semaphore(%arg12 : memref<!tpu.dma_semaphore, #tpu.memory_space<semaphore_mem>>) src(%dma_wait3A_72 : memref<10240x128xf32, #tpu.memory_space<hbm>>) dst(%arg10 : memref<128x128xf32, #tpu.memory_space<vmem>>)
        %dma_start3A_73 = arith.constant 0 : i32
        %dma_start3A_74 = tpu.memref_slice %arg8[%add3A_66, %dma_start3A_73] : memref<40x128xi32, #tpu.memory_space<vmem>> -> memref<1x128xi32, #tpu.memory_space<vmem>>
        %dma_start3A_75 = tpu.memref_squeeze %dma_start3A_74 : memref<1x128xi32, #tpu.memory_space<vmem>> -> memref<128xi32, #tpu.memory_space<vmem>>
        %dma_start3A_76 = arith.constant 0 : i32
        %dma_start3A_77 = arith.constant 0 : i32
        %dma_start3A_78 = tpu.memref_slice %arg15[%dma_start3A_76, %dma_start3A_77] : memref<10240x128xf32, #tpu.memory_space<vmem_shared>> -> memref<10240x128xf32, #tpu.memory_space<vmem_shared>>
        tpu.enqueue_indirect_dma source(%arg10 : memref<128x128xf32, #tpu.memory_space<vmem>>) target(%dma_start3A_78 : memref<10240x128xf32, #tpu.memory_space<vmem_shared>>) offsets(%dma_start3A_75 : memref<128xi32, #tpu.memory_space<vmem>>) semaphore(%arg14 : memref<!tpu.dma_semaphore, #tpu.memory_space<semaphore_mem>>) {add = true}
        %ge3A_79 = arith.constant 1 : i32
        %ge3A_80 = arith.cmpi sge, %add3A_66, %ge3A_79 : i32
        %convert_element_type3A_81 = arith.extui %ge3A_80 : i1 to i32
        %cond3A_82 = arith.constant 0 : i32
        %cond3A_83 = arith.cmpi ne, %convert_element_type3A_81, %cond3A_82 : i32
        scf.if %cond3A_83 {
          %sub3A = arith.constant 1 : i32
          %sub3A_91 = arith.subi %add3A_66, %sub3A : i32
          %dma_wait3A_92 = arith.constant 0 : i32
          %dma_wait3A_93 = tpu.memref_slice %arg8[%sub3A_91, %dma_wait3A_92] : memref<40x128xi32, #tpu.memory_space<vmem>> -> memref<1x128xi32, #tpu.memory_space<vmem>>
          %dma_wait3A_94 = tpu.memref_squeeze %dma_wait3A_93 : memref<1x128xi32, #tpu.memory_space<vmem>> -> memref<128xi32, #tpu.memory_space<vmem>>
          %dma_wait3A_95 = arith.constant 0 : i32
          %dma_wait3A_96 = arith.constant 0 : i32
          %dma_wait3A_97 = tpu.memref_slice %arg15[%dma_wait3A_95, %dma_wait3A_96] : memref<10240x128xf32, #tpu.memory_space<vmem_shared>> -> memref<10240x128xf32, #tpu.memory_space<vmem_shared>>
          tpu.wait_indirect_dma semaphore(%arg13 : memref<!tpu.dma_semaphore, #tpu.memory_space<semaphore_mem>>) src(%arg9 : memref<128x128xf32, #tpu.memory_space<vmem>>) dst(%dma_wait3A_97 : memref<10240x128xf32, #tpu.memory_space<vmem_shared>>)
        } else {
        }
        %add3A_84 = arith.constant 1 : i32
        %add3A_85 = arith.addi %add3A_66, %add3A_84 : i32
        %lt3A_86 = arith.constant 40 : i32
        %lt3A_87 = arith.cmpi slt, %add3A_85, %lt3A_86 : i32
        %convert_element_type3A_88 = arith.extui %lt3A_87 : i1 to i32
        %cond3A_89 = arith.constant 0 : i32
        %cond3A_90 = arith.cmpi ne, %convert_element_type3A_88, %cond3A_89 : i32
        scf.if %cond3A_90 {
          %add3A_91 = arith.constant 1 : i32
          %add3A_92 = arith.addi %add3A_66, %add3A_91 : i32
          %dma_start3A_93 = arith.constant 0 : i32
          %dma_start3A_94 = tpu.memref_slice %arg7[%add3A_92, %dma_start3A_93] : memref<40x128xi32, #tpu.memory_space<vmem>> -> memref<1x128xi32, #tpu.memory_space<vmem>>
          %dma_start3A_95 = tpu.memref_squeeze %dma_start3A_94 : memref<1x128xi32, #tpu.memory_space<vmem>> -> memref<128xi32, #tpu.memory_space<vmem>>
          %dma_start3A_96 = arith.constant 0 : i32
          %dma_start3A_97 = arith.constant 0 : i32
          %dma_start3A_98 = tpu.memref_slice %arg2[%dma_start3A_96, %dma_start3A_97] : memref<10240x128xf32, #tpu.memory_space<hbm>> -> memref<10240x128xf32, #tpu.memory_space<hbm>>
          tpu.enqueue_indirect_dma source(%dma_start3A_98 : memref<10240x128xf32, #tpu.memory_space<hbm>>) target(%arg9 : memref<128x128xf32, #tpu.memory_space<vmem>>) offsets(%dma_start3A_95 : memref<128xi32, #tpu.memory_space<vmem>>) semaphore(%arg11 : memref<!tpu.dma_semaphore, #tpu.memory_space<semaphore_mem>>)
        } else {
        }
      }
      %scan3A_27 = arith.constant 20 : i32
      %dma_wait3A = arith.constant 39 : i32
      %dma_wait3A_28 = arith.constant 0 : i32
      %dma_wait3A_29 = tpu.memref_slice %arg8[%dma_wait3A, %dma_wait3A_28] : memref<40x128xi32, #tpu.memory_space<vmem>> -> memref<1x128xi32, #tpu.memory_space<vmem>>
      %dma_wait3A_30 = tpu.memref_squeeze %dma_wait3A_29 : memref<1x128xi32, #tpu.memory_space<vmem>> -> memref<128xi32, #tpu.memory_space<vmem>>
      %dma_wait3A_31 = arith.constant 0 : i32
      %dma_wait3A_32 = arith.constant 0 : i32
      %dma_wait3A_33 = tpu.memref_slice %arg15[%dma_wait3A_31, %dma_wait3A_32] : memref<10240x128xf32, #tpu.memory_space<vmem_shared>> -> memref<10240x128xf32, #tpu.memory_space<vmem_shared>>
      tpu.wait_indirect_dma semaphore(%arg14 : memref<!tpu.dma_semaphore, #tpu.memory_space<semaphore_mem>>) src(%arg10 : memref<128x128xf32, #tpu.memory_space<vmem>>) dst(%dma_wait3A_33 : memref<10240x128xf32, #tpu.memory_space<vmem_shared>>)
    }
    %scan3A_6 = arith.constant 2 : i32
    %barrier3A_7 = arith.constant 0 : index
    tpu.barrier barrier_id(%barrier3A_7)
    "tpu.region"() ({
      %run_scoped3A = tpu.sem_alloc : memref<!tpu.dma_semaphore, #tpu.memory_space<semaphore_mem>>
      %dma_start3A = arith.constant 0 : i32
      %dma_start3A_8 = tpu.memref_slice %arg6[%arg0, %mul3A_2, %dma_start3A] : memref<2x10240x128xf32, #tpu.memory_space<hbm>> -> memref<1x640x128xf32, #tpu.memory_space<hbm>>
      %dma_start3A_9 = tpu.memref_squeeze %dma_start3A_8 : memref<1x640x128xf32, #tpu.memory_space<hbm>> -> memref<640x128xf32, #tpu.memory_space<hbm>>
      %dma_start3A_10 = arith.constant 0 : i32
      %dma_start3A_11 = tpu.memref_slice %arg15[%mul3A_2, %dma_start3A_10] : memref<10240x128xf32, #tpu.memory_space<vmem_shared>> -> memref<640x128xf32, #tpu.memory_space<vmem_shared>>
      tpu.enqueue_dma source(%dma_start3A_11 : memref<640x128xf32, #tpu.memory_space<vmem_shared>>) target(%dma_start3A_9 : memref<640x128xf32, #tpu.memory_space<hbm>>) target_semaphore(%run_scoped3A : memref<!tpu.dma_semaphore, #tpu.memory_space<semaphore_mem>>)
      %dma_wait3A = arith.constant 0 : i32
      %dma_wait3A_12 = tpu.memref_slice %arg6[%arg0, %mul3A_2, %dma_wait3A] : memref<2x10240x128xf32, #tpu.memory_space<hbm>> -> memref<1x640x128xf32, #tpu.memory_space<hbm>>
      %dma_wait3A_13 = tpu.memref_squeeze %dma_wait3A_12 : memref<1x640x128xf32, #tpu.memory_space<hbm>> -> memref<640x128xf32, #tpu.memory_space<hbm>>
      %dma_wait3A_14 = arith.constant 0 : i32
      %dma_wait3A_15 = tpu.memref_slice %arg15[%mul3A_2, %dma_wait3A_14] : memref<10240x128xf32, #tpu.memory_space<vmem_shared>> -> memref<640x128xf32, #tpu.memory_space<vmem_shared>>
      tpu.wait_dma2 semaphore(%run_scoped3A : memref<!tpu.dma_semaphore, #tpu.memory_space<semaphore_mem>>) src(%dma_wait3A_15 : memref<640x128xf32, #tpu.memory_space<vmem_shared>>) dst(%dma_wait3A_13 : memref<640x128xf32, #tpu.memory_space<hbm>>)
      tpu.yield
    }) : () -> ()
    return
  }
}

module attributes {stable_mosaic.version = 14 : i64} {
  func.func @_tc_layer_body(%arg0: i32, %arg1: memref<2x2048x128xf32, #tpu.memory_space<vmem>>, %arg2: memref<2x2048x128xf32, #tpu.memory_space<vmem>>, %arg3: memref<2048x128xf32, #tpu.memory_space<vmem>>, %arg4: memref<128x128xf32, #tpu.memory_space<vmem>>, %arg5: memref<1x128xf32, #tpu.memory_space<vmem>>, %arg6: memref<128x128xf32, #tpu.memory_space<vmem>>, %arg7: memref<2048x128xf32, #tpu.memory_space<vmem>>) attributes {dimension_semantics = [#tpu.dimension_semantics<arbitrary>], iteration_bounds = array<i64: 5>, scalar_prefetch = 0 : i64, scratch_operands = 0 : i64, tpu.core_type = #tpu.core_type<tc>, window_params = [{transform_indices = @transform_0, window_bounds = array<i64: 2, 2048, 128>}, {transform_indices = @transform_1, window_bounds = array<i64: 2, 2048, 128>}, {transform_indices = @transform_2, window_bounds = array<i64: 2048, 128>}, {pipeline_mode = #tpu.pipeline_mode<synchronous>, transform_indices = @transform_3, window_bounds = array<i64: 128, 128>}, {pipeline_mode = #tpu.pipeline_mode<synchronous>, transform_indices = @transform_4, window_bounds = array<i64: 1, 128>}, {pipeline_mode = #tpu.pipeline_mode<synchronous>, transform_indices = @transform_5, window_bounds = array<i64: 128, 128>}, {transform_indices = @transform_6, window_bounds = array<i64: 2048, 128>}]} {
    %get3A = arith.constant 0 : index
    %get3A_0 = arith.constant 0 : index
    %get3A_1 = arith.constant 0 : index
    %get3A_2 = vector.load %arg1[%get3A, %get3A_0, %get3A_1] : memref<2x2048x128xf32, #tpu.memory_space<vmem>>, vector<1x2048x128xf32>
    %get3A_3 = vector.shape_cast %get3A_2 : vector<1x2048x128xf32> to vector<2048x128xf32>
    %get3A_4 = arith.constant 1 : index
    %get3A_5 = arith.constant 0 : index
    %get3A_6 = arith.constant 0 : index
    %get3A_7 = vector.load %arg1[%get3A_4, %get3A_5, %get3A_6] : memref<2x2048x128xf32, #tpu.memory_space<vmem>>, vector<1x2048x128xf32>
    %get3A_8 = vector.shape_cast %get3A_7 : vector<1x2048x128xf32> to vector<2048x128xf32>
    %add3A = arith.addf %get3A_3, %get3A_8 : vector<2048x128xf32>
    %get3A_9 = arith.constant 0 : index
    %get3A_10 = arith.constant 0 : index
    %get3A_11 = arith.constant 0 : index
    %get3A_12 = vector.load %arg2[%get3A_9, %get3A_10, %get3A_11] : memref<2x2048x128xf32, #tpu.memory_space<vmem>>, vector<1x2048x8xf32>
    %get3A_13 = vector.shape_cast %get3A_12 : vector<1x2048x8xf32> to vector<2048x8xf32>
    %get3A_14 = arith.constant 1 : index
    %get3A_15 = arith.constant 0 : index
    %get3A_16 = arith.constant 0 : index
    %get3A_17 = vector.load %arg2[%get3A_14, %get3A_15, %get3A_16] : memref<2x2048x128xf32, #tpu.memory_space<vmem>>, vector<1x2048x8xf32>
    %get3A_18 = vector.shape_cast %get3A_17 : vector<1x2048x8xf32> to vector<2048x8xf32>
    %add3A_19 = arith.addf %get3A_13, %get3A_18 : vector<2048x8xf32>
    %slice3A = vector.extract_strided_slice %add3A_19 {offsets = [0, 0], sizes = [2048, 1], strides = [1, 1]} : vector<2048x8xf32> to vector<2048x1xf32>
    %max3A = arith.constant 1.000000e+00 : f32
    %max3A_20 = vector.broadcast %max3A : f32 to vector<2048x1xf32>
    %max3A_21 = arith.maximumf %slice3A, %max3A_20 : vector<2048x1xf32>
    %div3A = arith.constant 1.000000e+00 : f32
    %div3A_22 = vector.broadcast %div3A : f32 to vector<2048x1xf32>
    %div3A_23 = arith.divf %div3A_22, %max3A_21 : vector<2048x1xf32>
    %mul3A = vector.broadcast %div3A_23 : vector<2048x1xf32> to vector<2048x128xf32>
    %mul3A_24 = arith.mulf %add3A, %mul3A : vector<2048x128xf32>
    %get3A_25 = arith.constant 0 : index
    %get3A_26 = arith.constant 0 : index
    %get3A_27 = vector.load %arg4[%get3A_25, %get3A_26] : memref<128x128xf32, #tpu.memory_space<vmem>>, vector<128x128xf32>
    %dot_general3A = arith.constant dense<0.000000e+00> : vector<2048x128xf32>
    %dot_general3A_28 = tpu.matmul %mul3A_24, %get3A_27, %dot_general3A {dimension_numbers = #tpu.dot_dimension_numbers<[1], [1], [0], [0], [0, 0, 1, 0], [], []>, transpose_lhs_hint = false} : vector<2048x128xf32>, vector<128x128xf32>, vector<2048x128xf32> -> vector<2048x128xf32>
    %get3A_29 = arith.constant 0 : index
    %get3A_30 = arith.constant 0 : index
    %get3A_31 = vector.load %arg3[%get3A_29, %get3A_30] : memref<2048x128xf32, #tpu.memory_space<vmem>>, vector<2048x128xf32>
    %get3A_32 = arith.constant 0 : index
    %get3A_33 = arith.constant 0 : index
    %get3A_34 = vector.load %arg6[%get3A_32, %get3A_33] : memref<128x128xf32, #tpu.memory_space<vmem>>, vector<128x128xf32>
    %dot_general3A_35 = arith.constant dense<0.000000e+00> : vector<2048x128xf32>
    %dot_general3A_36 = tpu.matmul %get3A_31, %get3A_34, %dot_general3A_35 {dimension_numbers = #tpu.dot_dimension_numbers<[1], [1], [0], [0], [0, 0, 1, 0], [], []>, transpose_lhs_hint = false} : vector<2048x128xf32>, vector<128x128xf32>, vector<2048x128xf32> -> vector<2048x128xf32>
    %add3A_37 = arith.addf %dot_general3A_28, %dot_general3A_36 : vector<2048x128xf32>
    %get3A_38 = arith.constant 0 : index
    %get3A_39 = arith.constant 0 : index
    %get3A_40 = vector.load %arg5[%get3A_38, %get3A_39] : memref<1x128xf32, #tpu.memory_space<vmem>>, vector<1x128xf32>
    %add3A_41 = vector.broadcast %get3A_40 : vector<1x128xf32> to vector<2048x128xf32>
    %add3A_42 = arith.addf %add3A_37, %add3A_41 : vector<2048x128xf32>
    %max3A_43 = arith.constant 0.000000e+00 : f32
    %max3A_44 = vector.broadcast %max3A_43 : f32 to vector<2048x128xf32>
    %max3A_45 = arith.maximumf %add3A_42, %max3A_44 : vector<2048x128xf32>
    %swap3A = arith.constant 0 : index
    %swap3A_46 = arith.constant 0 : index
    %swap3A_47 = vector.load %arg7[%swap3A, %swap3A_46] : memref<2048x128xf32, #tpu.memory_space<vmem>>, vector<2048x128xf32>
    tpu.vector_store %arg7[%swap3A, %swap3A_46], %max3A_45 {strides = array<i32>} : memref<2048x128xf32, #tpu.memory_space<vmem>>, vector<2048x128xf32>,
    return
  }
  func.func @transform_0(%arg0: i32) -> (i32, i32, i32) {
    %c0_i32 = arith.constant 0 : i32
    %c0_i32_0 = arith.constant 0 : i32
    %c0_i32_1 = arith.constant 0 : i32
    return %c0_i32, %arg0, %c0_i32_0 : i32, i32, i32
  }
  func.func @transform_1(%arg0: i32) -> (i32, i32, i32) {
    %c0_i32 = arith.constant 0 : i32
    %c0_i32_0 = arith.constant 0 : i32
    %c0_i32_1 = arith.constant 0 : i32
    return %c0_i32, %arg0, %c0_i32_0 : i32, i32, i32
  }
  func.func @transform_2(%arg0: i32) -> (i32, i32) {
    %c0_i32 = arith.constant 0 : i32
    %c0_i32_0 = arith.constant 0 : i32
    return %arg0, %c0_i32 : i32, i32
  }
  func.func @transform_3(%arg0: i32) -> (i32, i32) {
    %c0_i32 = arith.constant 0 : i32
    %c0_i32_0 = arith.constant 0 : i32
    %c0_i32_1 = arith.constant 0 : i32
    return %c0_i32, %c0_i32_0 : i32, i32
  }
  func.func @transform_4(%arg0: i32) -> (i32, i32) {
    %c0_i32 = arith.constant 0 : i32
    %c0_i32_0 = arith.constant 0 : i32
    %c0_i32_1 = arith.constant 0 : i32
    return %c0_i32, %c0_i32_0 : i32, i32
  }
  func.func @transform_5(%arg0: i32) -> (i32, i32) {
    %c0_i32 = arith.constant 0 : i32
    %c0_i32_0 = arith.constant 0 : i32
    %c0_i32_1 = arith.constant 0 : i32
    return %c0_i32, %c0_i32_0 : i32, i32
  }
  func.func @transform_6(%arg0: i32) -> (i32, i32) {
    %c0_i32 = arith.constant 0 : i32
    %c0_i32_0 = arith.constant 0 : i32
    return %arg0, %c0_i32 : i32, i32
  }
}

module attributes {stable_mosaic.version = 14 : i64} {
  func.func @_tc_layer_body(%arg0: i32, %arg1: memref<2x2048x128xf32, #tpu.memory_space<vmem>>, %arg2: memref<2x2048x128xf32, #tpu.memory_space<vmem>>, %arg3: memref<2048x128xf32, #tpu.memory_space<vmem>>, %arg4: memref<128x128xf32, #tpu.memory_space<vmem>>, %arg5: memref<1x128xf32, #tpu.memory_space<vmem>>, %arg6: memref<128x128xf32, #tpu.memory_space<vmem>>, %arg7: memref<2048x128xf32, #tpu.memory_space<vmem>>) attributes {dimension_semantics = [#tpu.dimension_semantics<arbitrary>], iteration_bounds = array<i64: 5>, scalar_prefetch = 0 : i64, scratch_operands = 0 : i64, tpu.core_type = #tpu.core_type<tc>, window_params = [{transform_indices = @transform_0, window_bounds = array<i64: 2, 2048, 128>}, {transform_indices = @transform_1, window_bounds = array<i64: 2, 2048, 128>}, {transform_indices = @transform_2, window_bounds = array<i64: 2048, 128>}, {pipeline_mode = #tpu.pipeline_mode<synchronous>, transform_indices = @transform_3, window_bounds = array<i64: 128, 128>}, {pipeline_mode = #tpu.pipeline_mode<synchronous>, transform_indices = @transform_4, window_bounds = array<i64: 1, 128>}, {pipeline_mode = #tpu.pipeline_mode<synchronous>, transform_indices = @transform_5, window_bounds = array<i64: 128, 128>}, {transform_indices = @transform_6, window_bounds = array<i64: 2048, 128>}]} {
    %get3A = arith.constant 0 : index
    %get3A_0 = arith.constant 0 : index
    %get3A_1 = arith.constant 0 : index
    %get3A_2 = vector.load %arg1[%get3A, %get3A_0, %get3A_1] : memref<2x2048x128xf32, #tpu.memory_space<vmem>>, vector<1x2048x128xf32>
    %get3A_3 = vector.shape_cast %get3A_2 : vector<1x2048x128xf32> to vector<2048x128xf32>
    %get3A_4 = arith.constant 1 : index
    %get3A_5 = arith.constant 0 : index
    %get3A_6 = arith.constant 0 : index
    %get3A_7 = vector.load %arg1[%get3A_4, %get3A_5, %get3A_6] : memref<2x2048x128xf32, #tpu.memory_space<vmem>>, vector<1x2048x128xf32>
    %get3A_8 = vector.shape_cast %get3A_7 : vector<1x2048x128xf32> to vector<2048x128xf32>
    %add3A = arith.addf %get3A_3, %get3A_8 : vector<2048x128xf32>
    %get3A_9 = arith.constant 0 : index
    %get3A_10 = arith.constant 0 : index
    %get3A_11 = arith.constant 0 : index
    %get3A_12 = vector.load %arg2[%get3A_9, %get3A_10, %get3A_11] : memref<2x2048x128xf32, #tpu.memory_space<vmem>>, vector<1x2048x8xf32>
    %get3A_13 = vector.shape_cast %get3A_12 : vector<1x2048x8xf32> to vector<2048x8xf32>
    %get3A_14 = arith.constant 1 : index
    %get3A_15 = arith.constant 0 : index
    %get3A_16 = arith.constant 0 : index
    %get3A_17 = vector.load %arg2[%get3A_14, %get3A_15, %get3A_16] : memref<2x2048x128xf32, #tpu.memory_space<vmem>>, vector<1x2048x8xf32>
    %get3A_18 = vector.shape_cast %get3A_17 : vector<1x2048x8xf32> to vector<2048x8xf32>
    %add3A_19 = arith.addf %get3A_13, %get3A_18 : vector<2048x8xf32>
    %slice3A = vector.extract_strided_slice %add3A_19 {offsets = [0, 0], sizes = [2048, 1], strides = [1, 1]} : vector<2048x8xf32> to vector<2048x1xf32>
    %max3A = arith.constant 1.000000e+00 : f32
    %max3A_20 = vector.broadcast %max3A : f32 to vector<2048x1xf32>
    %max3A_21 = arith.maximumf %slice3A, %max3A_20 : vector<2048x1xf32>
    %div3A = arith.constant 1.000000e+00 : f32
    %div3A_22 = vector.broadcast %div3A : f32 to vector<2048x1xf32>
    %div3A_23 = arith.divf %div3A_22, %max3A_21 : vector<2048x1xf32>
    %mul3A = vector.broadcast %div3A_23 : vector<2048x1xf32> to vector<2048x128xf32>
    %mul3A_24 = arith.mulf %add3A, %mul3A : vector<2048x128xf32>
    %get3A_25 = arith.constant 0 : index
    %get3A_26 = arith.constant 0 : index
    %get3A_27 = vector.load %arg4[%get3A_25, %get3A_26] : memref<128x128xf32, #tpu.memory_space<vmem>>, vector<128x128xf32>
    %dot_general3A = arith.constant dense<0.000000e+00> : vector<2048x128xf32>
    %dot_general3A_28 = tpu.matmul %mul3A_24, %get3A_27, %dot_general3A {dimension_numbers = #tpu.dot_dimension_numbers<[1], [1], [0], [0], [0, 0, 1, 0], [], []>, transpose_lhs_hint = false} : vector<2048x128xf32>, vector<128x128xf32>, vector<2048x128xf32> -> vector<2048x128xf32>
    %get3A_29 = arith.constant 0 : index
    %get3A_30 = arith.constant 0 : index
    %get3A_31 = vector.load %arg3[%get3A_29, %get3A_30] : memref<2048x128xf32, #tpu.memory_space<vmem>>, vector<2048x128xf32>
    %get3A_32 = arith.constant 0 : index
    %get3A_33 = arith.constant 0 : index
    %get3A_34 = vector.load %arg6[%get3A_32, %get3A_33] : memref<128x128xf32, #tpu.memory_space<vmem>>, vector<128x128xf32>
    %dot_general3A_35 = arith.constant dense<0.000000e+00> : vector<2048x128xf32>
    %dot_general3A_36 = tpu.matmul %get3A_31, %get3A_34, %dot_general3A_35 {dimension_numbers = #tpu.dot_dimension_numbers<[1], [1], [0], [0], [0, 0, 1, 0], [], []>, transpose_lhs_hint = false} : vector<2048x128xf32>, vector<128x128xf32>, vector<2048x128xf32> -> vector<2048x128xf32>
    %add3A_37 = arith.addf %dot_general3A_28, %dot_general3A_36 : vector<2048x128xf32>
    %get3A_38 = arith.constant 0 : index
    %get3A_39 = arith.constant 0 : index
    %get3A_40 = vector.load %arg5[%get3A_38, %get3A_39] : memref<1x128xf32, #tpu.memory_space<vmem>>, vector<1x128xf32>
    %add3A_41 = vector.broadcast %get3A_40 : vector<1x128xf32> to vector<2048x128xf32>
    %add3A_42 = arith.addf %add3A_37, %add3A_41 : vector<2048x128xf32>
    %swap3A = arith.constant 0 : index
    %swap3A_43 = arith.constant 0 : index
    %swap3A_44 = vector.load %arg7[%swap3A, %swap3A_43] : memref<2048x128xf32, #tpu.memory_space<vmem>>, vector<2048x128xf32>
    tpu.vector_store %arg7[%swap3A, %swap3A_43], %add3A_42 {strides = array<i32>} : memref<2048x128xf32, #tpu.memory_space<vmem>>, vector<2048x128xf32>,
    return
  }
  func.func @transform_0(%arg0: i32) -> (i32, i32, i32) {
    %c0_i32 = arith.constant 0 : i32
    %c0_i32_0 = arith.constant 0 : i32
    %c0_i32_1 = arith.constant 0 : i32
    return %c0_i32, %arg0, %c0_i32_0 : i32, i32, i32
  }
  func.func @transform_1(%arg0: i32) -> (i32, i32, i32) {
    %c0_i32 = arith.constant 0 : i32
    %c0_i32_0 = arith.constant 0 : i32
    %c0_i32_1 = arith.constant 0 : i32
    return %c0_i32, %arg0, %c0_i32_0 : i32, i32, i32
  }
  func.func @transform_2(%arg0: i32) -> (i32, i32) {
    %c0_i32 = arith.constant 0 : i32
    %c0_i32_0 = arith.constant 0 : i32
    return %arg0, %c0_i32 : i32, i32
  }
  func.func @transform_3(%arg0: i32) -> (i32, i32) {
    %c0_i32 = arith.constant 0 : i32
    %c0_i32_0 = arith.constant 0 : i32
    %c0_i32_1 = arith.constant 0 : i32
    return %c0_i32, %c0_i32_0 : i32, i32
  }
  func.func @transform_4(%arg0: i32) -> (i32, i32) {
    %c0_i32 = arith.constant 0 : i32
    %c0_i32_0 = arith.constant 0 : i32
    %c0_i32_1 = arith.constant 0 : i32
    return %c0_i32, %c0_i32_0 : i32, i32
  }
  func.func @transform_5(%arg0: i32) -> (i32, i32) {
    %c0_i32 = arith.constant 0 : i32
    %c0_i32_0 = arith.constant 0 : i32
    %c0_i32_1 = arith.constant 0 : i32
    return %c0_i32, %c0_i32_0 : i32, i32
  }
  func.func @transform_6(%arg0: i32) -> (i32, i32) {
    %c0_i32 = arith.constant 0 : i32
    %c0_i32_0 = arith.constant 0 : i32
    return %arg0, %c0_i32 : i32, i32
  }
}

</mosaic_0001>

<sc_bundles>
// kernel: kernel.12.cloned.1.call-start
scs
__scs_entry_jumppad:
0x0: {  	(pc) =	sbr.rel $0x88, $3  }
0x1: {  	(tag) =	ssettag $0x0;
	lr =	simm.s32 $0x1  }
0x2: {  	[smem:$0x3F96] =	sst lr;
	_ =	strace $0xD0000000  }
0x3: {  	_ = 	snop  }
0x4: {  	_ = 	snop  }
0x5: {  	_ = 	snop  }
0x6: {  	_ = 	snop  }
0x7: {  	_ = 	snop  }
__scs_overlays_trampoline_lowered:
0x8: {  	[smem:$0x3FA5] =	sst s0  }
0x9: {  	[smem:$0x3FA6] =	sst s1  }
0xa: {  	[smem:$0x3FA7] =	sst s2  }
0xb: {  	[smem:$0x3FA8] =	sst s3  }
0xc: {  	[smem:$0x3FA9] =	sst s4  }
0xd: {  	[smem:$0x3FAA] =	sst s5  }
0xe: {  	[smem:$0x3FAB] =	sst s6  }
0xf: {  	[smem:$0x3FAC] =	sst s7  }
0x10: {  	[smem:$0x3FAD] =	sst s8  }
0x11: {  	[smem:$0x3FAE] =	sst s9;
	s0 =	simm.s32 @!p0 $0x0  }
0x12: {  	s1 =	sld [smem:$0x3F94];
	s0 =	simm.s32 @p0 $0x1  }
0x13: {  	[smem:$0x3FAF] =	sst s0;
	s0 =	simm.s32 @!p1 $0x0  }
0x14: {  	s2 =	sld [smem:$0x3F93];
	s0 =	simm.s32 @p1 $0x1  }
0x15: {  	[smem:$0x3FB0] =	sst s0;
	s0 =	simm.s32 @!p2 $0x0  }
0x16: {  	s3 =	sld [smem:$0x3FDB];
	s0 =	simm.s32 @p2 $0x1  }
0x17: {  	s4 =	simm.s32 $0x1BF5;
	[smem:$0x3FB2] =	sst s0  }
0x18: {  	s0 =	sld [smem:$0x3F95];
	_ =	swait.ge [sflag:s4], $0x0  }
0x19: {  	s7 =	sld [smem:$0x3F96]  }
0x1a: {  	s8 =	sadd.s32 $0xFFFFE003, lr  }
0x1b: {  	s9 =	sadd.s32 $0xFFFFFEF7, lr;
	s5 =	simm.s32 $0xFFFFFFFF;
	p2 =	slt.u32 s8, $0xFFFFF086  }
0x1c: {  	p1 =	slt.u32 s9, $0xF7A;
	s5 =	simm.s32 @!p2 $0x0  }
0x1d: {  	s5 =	simm.s32 @p1 $0x1;
	p0 =	seq.s32 s7, s2  }
0x1e: {  	s7 =	smul.u32 @!p0 $0xF7A, s2;
	p2 =	seq.s32 @!p0 s5, $0x0  }
0x1f: {  	s9 =	smul.u32 $0xF7A, s1;
	s8 =	simm.s32 @!p0 $0x1BF5;
	p2 =	por !p2, p0  }
0x20: {  	[sflag:s8] =	ssyncset.s32 @!p0 $0xFFFFF086;
	s6 =	sadd.s32 @!p0 s3, s7;
	s7 =	simm.s32 @!p0 $0x108  }
0x21: {  	s3 =	sadd.s32 s3, s9;
	s6 =	sadd.s32 @!p0 $0x88, s6;
	s7 =	simm.s32 @p2 $0x1082  }
0x22: {  	[simem:s7], [sflag:s8] =	dma.local @!p0 [hbm:s6], $0xF7A  }
0x23: {  	s9 =	sor.u32 $0xD0000000, s2;
	s6 =	simm.s32 $0x108;
	_ =	swait.ge @!p0 [sflag:s8], $0x0  }
0x24: {  	s3 =	sadd.s32 $0x88, s3;
	s6 =	simm.s32 @!p1 $0x1082;
	[sflag:s4] =	ssyncset.s32 $0xFFFFF086  }
0x25: {  	[simem:s6], [sflag:s4] =	dma.local [hbm:s3], $0xF7A  }
0x26: {  	[smem:$0x3F96] =	sst s1;
	(tag) =	ssettag s2;
	_ =	strace s9  }
0x27: {  	s1 =	sld [smem:$0x3FA6]  }
0x28: {  	s2 =	sld [smem:$0x3FA7]  }
0x29: {  	s4 =	sld [smem:$0x3FA9]  }
0x2a: {  	p0 =	seq.s32 s5, $0x0;
	s5 =	sld [smem:$0x3FAA]  }
0x2b: {  	s6 =	sld [smem:$0x3FAB]  }
0x2c: {  	s7 =	sld [smem:$0x3FAC]  }
0x2d: {  	s3 =	simm.s32 $0x108;
	s8 =	sld [smem:$0x3FAD]  }
0x2e: {  	s3 =	simm.s32 @!p0 $0x1082;
	s9 =	sld [smem:$0x3FAE]  }
0x2f: {  	lr =	sadd.s32 s0, s3;
	s0 =	sld [smem:$0x3FA5]  }
0x30: {  	s3 =	sld [smem:$0x3FA8]  }
0x31: {  	[smem:$0x3FB1] =	sst s10  }
0x32: {  	s10 =	sld [smem:$0x3FAF];
	_ =	sdelay $0x3  }
0x33: {  	p0 =	seq.s32 s10, $0x1;
	s10 =	sld [smem:$0x3FB1];
	_ =	sdelay $0x3  }
0x34: {  	[smem:$0x3FB1] =	sst s10  }
0x35: {  	s10 =	sld [smem:$0x3FB0];
	_ =	sdelay $0x3  }
0x36: {  	p1 =	seq.s32 s10, $0x1;
	s10 =	sld [smem:$0x3FB1];
	_ =	sdelay $0x3  }
0x37: {  	[smem:$0x3FB1] =	sst s10  }
0x38: {  	s10 =	sld [smem:$0x3FB2]  }
0x39: {  	_ = 	snop;
	(pc) =	sbr.ind lr, $3  }
0x3a: {  	_ = 	snop  }
0x3b: {  	_ = 	snop  }
0x3c: {  	p2 =	seq.s32 s10, $0x1;
	s10 =	sld [smem:$0x3FB1]  }
0x3d: {  	_ =	shalt  }
0x3e: {  	_ =	shalt  }
0x3f: {  	_ =	shalt  }
0x40: {  	_ =	shalt  }
0x41: {  	_ =	shalt  }
0x42: {  	_ =	shalt  }
0x43: {  	_ =	shalt  }
0x44: {  	_ =	shalt  }
0x45: {  	_ =	shalt  }
0x46: {  	_ =	shalt  }
0x47: {  	_ =	shalt  }
0x48: {  	_ =	shalt  }
0x49: {  	_ =	shalt  }
0x4a: {  	_ =	shalt  }
0x4b: {  	_ =	shalt  }
0x4c: {  	_ =	shalt  }
0x4d: {  	_ =	shalt  }
0x4e: {  	_ =	shalt  }
0x4f: {  	_ =	shalt  }
0x50: {  	_ =	shalt  }
0x51: {  	_ =	shalt  }
0x52: {  	_ =	shalt  }
0x53: {  	_ =	shalt  }
0x54: {  	_ =	shalt  }
0x55: {  	_ =	shalt  }
0x56: {  	_ =	shalt  }
0x57: {  	_ =	shalt  }
0x58: {  	_ =	shalt  }
0x59: {  	_ =	shalt  }
0x5a: {  	_ =	shalt  }
0x5b: {  	_ =	shalt  }
0x5c: {  	_ =	shalt  }
0x5d: {  	_ =	shalt  }
0x5e: {  	_ =	shalt  }
0x5f: {  	_ =	shalt  }
0x60: {  	_ =	shalt  }
0x61: {  	_ =	shalt  }
0x62: {  	_ =	shalt  }
0x63: {  	_ =	shalt  }
0x64: {  	_ =	shalt  }
0x65: {  	_ =	shalt  }
0x66: {  	_ =	shalt  }
0x67: {  	_ =	shalt  }
0x68: {  	_ =	shalt  }
0x69: {  	_ =	shalt  }
0x6a: {  	_ =	shalt  }
0x6b: {  	_ =	shalt  }
0x6c: {  	_ =	shalt  }
0x6d: {  	_ =	shalt  }
0x6e: {  	_ =	shalt  }
0x6f: {  	_ =	shalt  }
0x70: {  	_ =	shalt  }
0x71: {  	_ =	shalt  }
0x72: {  	_ =	shalt  }
0x73: {  	_ =	shalt  }
0x74: {  	_ =	shalt  }
0x75: {  	_ =	shalt  }
0x76: {  	_ =	shalt  }
0x77: {  	_ =	shalt  }
0x78: {  	_ =	shalt  }
0x79: {  	_ =	shalt  }
0x7a: {  	_ =	shalt  }
0x7b: {  	_ =	shalt  }
0x7c: {  	_ =	shalt  }
0x7d: {  	_ =	shalt  }
0x7e: {  	_ =	shalt  }
0x7f: {  	_ =	shalt  }
0x80: {  	_ =	shalt  }
0x81: {  	_ =	shalt  }
0x82: {  	_ =	shalt  }
0x83: {  	_ =	shalt  }
0x84: {  	_ =	shalt  }
0x85: {  	_ =	shalt  }
0x86: {  	_ =	shalt  }
0x87: {  	_ =	shalt  }
.Lfunc_end0:
.L_simem_size_0:
called_computation.1_lowered:
.L_overlay_start_0:
0x88: {  	s2 =	sld [smem:$0x3FD9]  }
0x89: {  	s3 =	sld [smem:$0x3FFE];
	_ =	sdelay $0x1  }
0x8a: {  	s1 =	srdreg.scid  }
0x8b: {  	s0 =	sand.u32 $0x1, s1  }
0x8c: {  	s17 =	sshll.u32 s0, $0xA;
	s2 =	sadd.s32 s3, s2  }
0x8d: {  	s2 =	sadd.s32 s2, s17  }
0x8e: {  	[smem:$0x3FBD] =	sst s2  }
0x8f: {  	_ = 	snop  }
0x90: {  	s2 =	sld [smem:$0x3FD0];
	(tm) =	ssettm $0x1  }
0x91: {  	s18 =	sld [smem:$0x3FFB];
	_ =	sdelay $0x3  }
0x92: {  	_ =	strace s18  }
0x93: {  	s3 =	sld [smem:$0x3FFC];
	_ =	sdelay $0x3  }
0x94: {  	_ =	strace s3  }
0x95: {  	s3 =	sld [smem:$0x3FFD];
	_ =	sdelay $0x3  }
0x96: {  	_ =	strace s3  }
0x97: {  	_ =	strace $0x8FFFFFFF  }
0x98: {  	s19 =	sld [smem:$0x3FDB];
	_ =	sdelay $0x1  }
0x99: {  	s4 =	simm.s32 $_scs_section_size  }
0x9a: {  	s5 =	simm.s32 $_size__tile_overlayer_lowered;
	s6 =	simm.s32 $_tile_overlayer_lowered  }
0x9b: {  	s22 =	simm.s32 $0x1BFF;
	s21 =	sshll.u32 s6, $0x1;
	s3 =	sadd.s32 s4, s19  }
0x9c: {  	s7 =	simm.s32 $0x0;
	s20 =	sshll.u32 s5, $0x1;
	s5 =	sadd.s32 s21, s3  }
0x9d: {  	[timem:s7], [sflag:s22] =	dma.local [hbm:s5], s20  }
0x9e: {  	_ =	swait.ge [sflag:s22], s20  }
0x9f: {  	s4 =	ssub.s32 $0x0, s20;
	[sflag:s22] =	ssyncset.done $0x0  }
0xa0: {  	[sflag:s22] =	ssyncadd.s32 s4;
	_ =	sdelay $0x1  }
0xa1: {  	s23 =	simm.s32 $0x1B8B  }
0xa2: {  	_ =	swait.ge [sflag:s23], $0x1  }
0xa3: {  	[sflag:s23] =	ssyncset.done $0x0  }
0xa4: {  	s25 =	simm.s32 $0x1B8E;
	s24 =	sld [smem:$0x3FFE];
	[sflag:s23] =	ssyncadd.s32 $0xFFFFFFFF  }
0xa5: {  	s26 =	simm.s32 $execute0_lowered;
	[smem:$0x3FD2] =	sst s25  }
0xa6: {  	s5 =	sshll.u32 s26, $0x1;
	_ =	strace $0x80000046;
	[dreg:$0x1] =	wrdreg $0xFFFFFFFF  }
0xa7: {  	s28 =	simm.s32 $_size_execute0_lowered;
	s3 =	sadd.s32 s3, s5;
	[dreg:$0x0] =	wrdreg $0x0  }
0xa8: {  	s5 =	sshll.u32 s28, $0x1;
	[dreg:$0x2] =	wrdreg s3  }
0xa9: {  	[dreg:$0x3] =	wrdreg s5  }
0xaa: {  	[dreg:$0x4] =	wrdreg $0xC0  }
0xab: {  	_ =	task [dreg:s7], $0x5FFFF  }
0xac: {  	[dreg:$0x1] =	wrdreg $0xFFFFFFFF  }
0xad: {  	[dreg:$0x0] =	wrdreg $0x60  }
0xae: {  	[dreg:$0x2] =	wrdreg s24  }
0xaf: {  	[dreg:$0x3] =	wrdreg s2  }
0xb0: {  	[dreg:$0x4] =	wrdreg $0xA8000  }
0xb1: {  	[dreg:$0x5] =	wrdreg $0xA  }
0xb2: {  	_ =	task.clear_ibuf [dreg:s7], $0x6FFFF;
	_ =	strace $0x90000046  }
0xb3: {  	s29 =	simm.s32 $0xA;
	_ =	strace $0x80000048  }
0xb4: {  	_ =	swait.ge [sflag:s29], $0x1  }
0xb5: {  	[sflag:s29] =	ssyncadd.s32 $0xFFFFFFFF  }
0xb6: {  	_ =	strace $0x90000048  }
0xb7: {  	_ =	sfence  }
0xb8: {  	s30 =	sld [smem:$0x0];
	_ =	sdelay $0x2  }
0xb9: {  	s31 =	sshll.u32 s1, $0xD;
	s1 =	sshrl.u32 s1, $0x2  }
0xba: {  	s3 =	sand.u32 $0x4000, s31;
	s1 =	sadd.s32 s1, s30  }
0xbb: {  	s0 =	sor.u32 s3, s0;
	s1 =	sshll.u32 s1, $0x11  }
0xbc: {  	s0 =	sor.u32 s1, s0  }
0xbd: {  	s0 =	sadd.s32 $0x8F2B, s0  }
0xbe: {  	[sflag:s0] =	ssyncadd.remote.s32 $0x1  }
0xbf: {  	_ =	sfence.sel $0xFFFF  }
0xc0: {  	[dreg:$0x0] =	wrdreg $0xFFFFFFFF;
	(pc) =	sbr.abs _section_cstart, $3  }
0xc1: {  	[dreg:$0x1] =	wrdreg $0xFFFFFFFF  }
0xc2: {  	_ =	task.clear_ibuf [dreg:s7], $0x2FFFF;
	_ =	strace $0x9FFFFFFF  }
0xc3: {  	(tm) =	ssettm $0x7FFFFFFF  }
tec
execute0_lowered:
.L_overlay_start_1:
0x0: {  	(tag) =	ssettag $0x1  }
0x1: {  	s5 =	rddreg [dreg:$0x0]  }
0x2: {  	s11 =	rddreg [dreg:$0x1]  }
0x3: {  	s2 =	rddreg [dreg:$0x2]  }
0x4: {  	s0 =	rddreg [dreg:$0x3];
	s1 =	stileid.u32  }
0x5: {  	s4 =	srdreg.scid;
	s3 =	simm.s32 $0x0;
	s15 =	simm.s32 $0x1400  }
0x6: {  	s16 =	simm.s32 $0x80;
	s17 =	simm.s32 $0x2800;
	s18 =	simm.s32 $0x1  }
0x7: {  	s19 =	simm.s32 $0x6800;
	s20 =	simm.s32 $0x2;
	s21 =	simm.s32 $0x1480  }
0x8: {  	s22 =	simm.s32 $0x3;
	s23 =	simm.s32 $0x100;
	s6 =	smul.u32 $0x14000, s1  }
0x9: {  	s7 =	sand.u32 $0x1, s4;
	[smem:$0x7FF] =	sst s3;
	s4 =	sadd.s32 $0xD200, s5  }
0xa: {  	s12 =	sadd.s32 $0x3200, s5;
	s13 =	smul.u32 $0x50000, s1;
	s29 =	sshll.u32 s1, $0x6  }
0xb: {  	s8 =	smul.u32 $0x140000, s7;
	_ =	strace $0x80000047;
	s25 =	ssub.s32 $0x2, s7  }
0xc: {  	s7 =	sshll.u32 s7, $0x4;
	s9 =	sshrl.u32 s6, $0x3;
	s10 =	sshrl.u32 s25, $0x1  }
0xd: {  	s26 =	sor.u32 s1, s7;
	s28 =	sshrl.u32 s13, $0x2;
	s6 =	sadd.s32 s6, s8  }
0xe: {  	s24 =	sadd.s32 s9, s5;
	s9 =	ssub.s32 s25, s10;
	s30 =	smul.u32 $0x2800, s26  }
0xf: {  	s13 =	sadd.s32 s28, s2;
	s25 =	simm.s32 $0x0;
	s6 =	sshrl.u32 s6, $0x3  }
.Ltmp0:
0x10: {  	s8 =	smax.u32 s9, $0x1;
	s13 =	sshrl.u32 s13, $0x3;
	(pc) =	sbr.rel .LBB2_1-.Ltmp0, $4  }
0x11: {  	s14 =	sadd.s32 s6, s5;
	s5 =	sadd.s32 $0x35200, s24;
	s6 =	sor.u32 $0x1C05, s29  }
0x12: {  	s31 =	sshrl.u32 s30, $0x3;
	s24 =	simm.s32 $0x4;
	s7 =	sadd.s32 $0x5D200, s14  }
0x13: {  	s9 =	sadd.s32 s11, s31;
	s10 =	sadd.s32 s12, s31;
	s14 =	sadd.s32 $0x280, s31  }
0x14: {  	s11 =	sadd.s32 s11, s14;
	s12 =	sadd.s32 s12, s14;
	s14 =	simm.s32 $0x5  }
.LBB2_7:
0x15: {  	_ =	swait.ge [sflag:s24], $0x4000  }
0x16: {  	s25 =	sadd.s32 $0x1, s25;
	[sflag:s24] =	ssyncset.done $0x0  }
0x17: {  	p0 =	sne.s32 s25, s8;
	[sflag:s24] =	ssyncadd.s32 $0xFFFFC000  }
.Ltmp1:
0x18: {  	[bflag:$0x0] =	sbarrier.arrive $0xFFFF;
	(pc) =	sbr.rel @!p0 .LBB2_8-.Ltmp1, $4  }
0x19: {  	[hbm:s7], [sflag:s6] =	dma.local [spmem:s13], $0x2800  }
0x1a: {  	_ =	swait.ge [sflag:s14], $0x2800  }
0x1b: {  	[sflag:s14] =	ssyncset.done $0x0  }
0x1c: {  	[sflag:s14] =	ssyncadd.s32 $0xFFFFD800  }
.LBB2_1:
0x1d: {  	[spmem:s13], [sflag:s6] =	dma.local [hbm:s5], $0x2800  }
0x1e: {  	_ =	swait.ge [sflag:s14], $0x2800  }
0x1f: {  	[sflag:s14] =	ssyncset.done $0x0  }
0x20: {  	[sflag:s14] =	ssyncadd.s32 $0xFFFFD800  }
0x21: {  	[bflag:$0x0] =	sbarrier.arrive $0xFFFF  }
0x22: {  	[tilespmem:s3], [sflag:$0x5] =	stream.linear.gather [hbm4b:s9+s3], $0x1400, $0x38;
	[tilespmem:$0x1E800] =	vst v63  }
0x23: {  	_ =	swait.ge [sflag:s14], $0x1400  }
0x24: {  	[sflag:s14] =	ssyncset.done $0x0  }
0x25: {  	[sflag:s14] =	ssyncadd.s32 $0xFFFFEC00  }
0x26: {  	[tilespmem:s15], [sflag:$0x5] =	stream.linear.gather [hbm4b:s10+s3], $0x1400, $0x38;
	[tilespmem:$0x1E800] =	vst v63  }
0x27: {  	_ =	swait.ge [sflag:s14], $0x1400  }
0x28: {  	[sflag:s14] =	ssyncset.done $0x0  }
0x29: {  	[sflag:s14] =	ssyncadd.s32 $0xFFFFEC00  }
0x2a: {  	[tilespmem:s17], [sflag:$0x1] =	stream.indirect.gather [hbm4b:s4+s16], $0x80, s3, s16, $0xb8;
	[tilespmem:$0x1E800] =	vst v63  }
0x2b: {  	_ =	swait.ge [sflag:s18], $0x4000  }
0x2c: {  	[sflag:s18] =	ssyncset.done $0x0  }
0x2d: {  	[sflag:s18] =	ssyncadd.s32 $0xFFFFC000  }
0x2e: {  	[spmem:s2] =	stream.indirect.scatter.add.f32 [tilespmem:s17], [sflag:$0x3], $0x80, s15, s16, $0xb8;
	[tilespmem:$0x1E800] =	vst v63  }
0x2f: {  	_ = 	snop  }
0x30: {  	[tilespmem:s19], [sflag:$0x2] =	stream.indirect.gather [hbm4b:s4+s16], $0x80, s16, s16, $0xb8;
	[tilespmem:$0x1E800] =	vst v63  }
0x31: {  	_ =	swait.ge [sflag:s20], $0x4000  }
0x32: {  	[sflag:s20] =	ssyncset.done $0x0  }
0x33: {  	[sflag:s20] =	ssyncadd.s32 $0xFFFFC000  }
0x34: {  	[spmem:s2] =	stream.indirect.scatter.add.f32 [tilespmem:s19], [sflag:$0x4], $0x80, s21, s16, $0xb8;
	[tilespmem:$0x1E800] =	vst v63  }
0x35: {  	_ =	swait.ge [sflag:s22], $0x4000  }
0x36: {  	[sflag:s22] =	ssyncset.done $0x0  }
0x37: {  	s26 =	simm.s32 $0xFFFFB800;
	[sflag:s22] =	ssyncadd.s32 $0xFFFFC000  }
0x38: {  	[tilespmem:s17], [sflag:$0x1] =	stream.indirect.gather [hbm4b:s4+s16], $0x80, s23, s16, $0xb8;
	[tilespmem:$0x1E800] =	vst v63  }
.LBB2_2:
0x39: {  	_ =	swait.ge [sflag:s18], $0x4000  }
0x3a: {  	s28 =	sshra.s32 s26, $0x2;
	[sflag:s18] =	ssyncset.done $0x0  }
0x3b: {  	s29 =	sadd.s32 $0x2700, s28;
	[sflag:s18] =	ssyncadd.s32 $0xFFFFC000  }
0x3c: {  	[spmem:s2] =	stream.indirect.scatter.add.f32 [tilespmem:s17], [sflag:$0x3], $0x80, s29, s16, $0xb8;
	[tilespmem:$0x1E800] =	vst v63  }
0x3d: {  	_ =	swait.ge [sflag:s24], $0x4000  }
0x3e: {  	[sflag:s24] =	ssyncset.done $0x0  }
0x3f: {  	s30 =	sadd.s32 $0x1380, s28;
	[sflag:s24] =	ssyncadd.s32 $0xFFFFC000  }
0x40: {  	[tilespmem:s19], [sflag:$0x2] =	stream.indirect.gather [hbm4b:s4+s16], $0x80, s30, s16, $0xb8;
	[tilespmem:$0x1E800] =	vst v63  }
0x41: {  	_ =	swait.ge [sflag:s20], $0x4000  }
0x42: {  	p0 =	seq.s32 s26, $0x0;
	[sflag:s20] =	ssyncset.done $0x0  }
.Ltmp2:
0x43: {  	s31 =	sadd.s32 $0x2780, s28;
	[sflag:s20] =	ssyncadd.s32 $0xFFFFC000;
	(pc) =	sbr.rel @p0 .LBB2_4-.Ltmp2, $4  }
0x44: {  	[spmem:s2] =	stream.indirect.scatter.add.f32 [tilespmem:s19], [sflag:$0x4], $0x80, s31, s16, $0xb8;
	[tilespmem:$0x1E800] =	vst v63  }
0x45: {  	_ =	swait.ge [sflag:s22], $0x4000  }
0x46: {  	[sflag:s22] =	ssyncset.done $0x0  }
0x47: {  	[sflag:s22] =	ssyncadd.s32 $0xFFFFC000  }
.Ltmp3:
0x48: {  	(pc) =	sbr.rel .LBB2_2-.Ltmp3, $3  }
0x49: {  	_ =	sdelay $0x1  }
0x4a: {  	s28 =	sadd.s32 $0x1400, s28;
	s26 =	sadd.s32 $0x400, s26  }
0x4b: {  	[tilespmem:s17], [sflag:$0x1] =	stream.indirect.gather [hbm4b:s4+s16], $0x80, s28, s16, $0xb8;
	[tilespmem:$0x1E800] =	vst v63  }
.LBB2_4:
0x4c: {  	_ =	swait.ge [sflag:s24], $0x4000  }
0x4d: {  	[sflag:s24] =	ssyncset.done $0x0  }
0x4e: {  	[sflag:s24] =	ssyncadd.s32 $0xFFFFC000  }
0x4f: {  	[tilespmem:s3], [sflag:$0x5] =	stream.linear.gather [hbm4b:s11+s3], $0x1400, $0x38;
	[tilespmem:$0x1E800] =	vst v63  }
0x50: {  	_ =	swait.ge [sflag:s14], $0x1400  }
0x51: {  	[sflag:s14] =	ssyncset.done $0x0  }
0x52: {  	[sflag:s14] =	ssyncadd.s32 $0xFFFFEC00  }
0x53: {  	[tilespmem:s15], [sflag:$0x5] =	stream.linear.gather [hbm4b:s12+s3], $0x1400, $0x38;
	[tilespmem:$0x1E800] =	vst v63  }
0x54: {  	_ =	swait.ge [sflag:s14], $0x1400  }
0x55: {  	[sflag:s14] =	ssyncset.done $0x0  }
0x56: {  	[sflag:s14] =	ssyncadd.s32 $0xFFFFEC00  }
0x57: {  	[tilespmem:s17], [sflag:$0x1] =	stream.indirect.gather [hbm4b:s4+s16], $0x80, s3, s16, $0xb8;
	[tilespmem:$0x1E800] =	vst v63  }
0x58: {  	_ =	swait.ge [sflag:s18], $0x4000  }
0x59: {  	[sflag:s18] =	ssyncset.done $0x0  }
0x5a: {  	[sflag:s18] =	ssyncadd.s32 $0xFFFFC000  }
0x5b: {  	[spmem:s2] =	stream.indirect.scatter.add.f32 [tilespmem:s17], [sflag:$0x3], $0x80, s15, s16, $0xb8;
	[tilespmem:$0x1E800] =	vst v63  }
0x5c: {  	_ = 	snop  }
0x5d: {  	[tilespmem:s19], [sflag:$0x2] =	stream.indirect.gather [hbm4b:s4+s16], $0x80, s16, s16, $0xb8;
	[tilespmem:$0x1E800] =	vst v63  }
0x5e: {  	_ =	swait.ge [sflag:s20], $0x4000  }
0x5f: {  	[sflag:s20] =	ssyncset.done $0x0  }
0x60: {  	[sflag:s20] =	ssyncadd.s32 $0xFFFFC000  }
0x61: {  	[spmem:s2] =	stream.indirect.scatter.add.f32 [tilespmem:s19], [sflag:$0x4], $0x80, s21, s16, $0xb8;
	[tilespmem:$0x1E800] =	vst v63  }
0x62: {  	_ =	swait.ge [sflag:s22], $0x4000  }
0x63: {  	[sflag:s22] =	ssyncset.done $0x0  }
0x64: {  	s26 =	simm.s32 $0xFFFFB800;
	[sflag:s22] =	ssyncadd.s32 $0xFFFFC000  }
0x65: {  	[tilespmem:s17], [sflag:$0x1] =	stream.indirect.gather [hbm4b:s4+s16], $0x80, s23, s16, $0xb8;
	[tilespmem:$0x1E800] =	vst v63  }
.LBB2_5:
0x66: {  	_ =	swait.ge [sflag:s18], $0x4000  }
0x67: {  	s28 =	sshra.s32 s26, $0x2;
	[sflag:s18] =	ssyncset.done $0x0  }
0x68: {  	s29 =	sadd.s32 $0x2700, s28;
	[sflag:s18] =	ssyncadd.s32 $0xFFFFC000  }
0x69: {  	[spmem:s2] =	stream.indirect.scatter.add.f32 [tilespmem:s17], [sflag:$0x3], $0x80, s29, s16, $0xb8;
	[tilespmem:$0x1E800] =	vst v63  }
0x6a: {  	_ =	swait.ge [sflag:s24], $0x4000  }
0x6b: {  	[sflag:s24] =	ssyncset.done $0x0  }
0x6c: {  	s30 =	sadd.s32 $0x1380, s28;
	[sflag:s24] =	ssyncadd.s32 $0xFFFFC000  }
0x6d: {  	[tilespmem:s19], [sflag:$0x2] =	stream.indirect.gather [hbm4b:s4+s16], $0x80, s30, s16, $0xb8;
	[tilespmem:$0x1E800] =	vst v63  }
0x6e: {  	_ =	swait.ge [sflag:s20], $0x4000  }
0x6f: {  	p0 =	seq.s32 s26, $0x0;
	[sflag:s20] =	ssyncset.done $0x0  }
.Ltmp4:
0x70: {  	s31 =	sadd.s32 $0x2780, s28;
	[sflag:s20] =	ssyncadd.s32 $0xFFFFC000;
	(pc) =	sbr.rel @p0 .LBB2_7-.Ltmp4, $4  }
0x71: {  	[spmem:s2] =	stream.indirect.scatter.add.f32 [tilespmem:s19], [sflag:$0x4], $0x80, s31, s16, $0xb8;
	[tilespmem:$0x1E800] =	vst v63  }
0x72: {  	_ =	swait.ge [sflag:s22], $0x4000  }
0x73: {  	[sflag:s22] =	ssyncset.done $0x0  }
0x74: {  	[sflag:s22] =	ssyncadd.s32 $0xFFFFC000  }
.Ltmp5:
0x75: {  	(pc) =	sbr.rel .LBB2_5-.Ltmp5, $3  }
0x76: {  	_ =	sdelay $0x1  }
0x77: {  	s28 =	sadd.s32 $0x1400, s28;
	s26 =	sadd.s32 $0x400, s26  }
0x78: {  	[tilespmem:s17], [sflag:$0x1] =	stream.indirect.gather [hbm4b:s4+s16], $0x80, s28, s16, $0xb8;
	[tilespmem:$0x1E800] =	vst v63  }
.LBB2_8:
0x79: {  	_ =	sfence.sel $0x180000  }
0x7a: {  	[bflag:$0x0] =	sbarrier.arrive $0xFFFF  }
0x7b: {  	p0 =	sne.s32 s1, $0x0;
	_ =	strace $0x90000047  }
0x7c: {  	s0 =	sadd.s32 @!p0 $0x100000, s0;
	[bflag:$0x2] =	sbarrier.arrive $0xFFFF  }
0x7d: {  	[sflag:s0] =	ssyncadd.tile.s32 @!p0 $0x1;
	_ =	shalt  }
.Lfunc_end2:
_tile_overlayer_lowered:
.L_overlay_start_2:
0x7e: {  	(tag) =	ssettag $0x2  }
0x7f: {  	s0 =	rddreg [dreg:$0x0];
	s2 =	stileid.u32  }
0x80: {  	s1 =	rddreg [dreg:$0x1];
	p0 =	sne.s32 s2, $0x0  }
0x81: {  	s3 =	rddreg [dreg:$0x2];
	[bflag:$0x3] =	sbarrier.arrive $0xFFFF;
	s2 =	simm.s32 @!p0 $0x1C05  }
0x82: {  	[timem:s3], [sflag:s2] =	dma.local @!p0 [hbm:s0], s1  }
0x83: {  	s0 =	simm.s32 @!p0 $0x5  }
0x84: {  	_ =	swait.ge @!p0 [sflag:s0], s1  }
0x85: {  	s1 =	ssub.s32 @!p0 $0x0, s1;
	[sflag:s0] =	ssyncset.done @!p0 $0x0  }
0x86: {  	[sflag:s0] =	ssyncadd.s32 @!p0 s1  }
0x87: {  	[bflag:$0x3] =	sbarrier.arrive $0xFFFF  }
0x88: {  	_ =	shalt  }

// kernel: kernel.15.cloned.1.call-start
scs
__scs_entry_jumppad:
0x0: {  	(pc) =	sbr.rel $0x88, $3  }
0x1: {  	(tag) =	ssettag $0x0;
	lr =	simm.s32 $0x1  }
0x2: {  	[smem:$0x3F96] =	sst lr;
	_ =	strace $0xD0000000  }
0x3: {  	_ = 	snop  }
0x4: {  	_ = 	snop  }
0x5: {  	_ = 	snop  }
0x6: {  	_ = 	snop  }
0x7: {  	_ = 	snop  }
__scs_overlays_trampoline_lowered:
0x8: {  	[smem:$0x3FA5] =	sst s0  }
0x9: {  	[smem:$0x3FA6] =	sst s1  }
0xa: {  	[smem:$0x3FA7] =	sst s2  }
0xb: {  	[smem:$0x3FA8] =	sst s3  }
0xc: {  	[smem:$0x3FA9] =	sst s4  }
0xd: {  	[smem:$0x3FAA] =	sst s5  }
0xe: {  	[smem:$0x3FAB] =	sst s6  }
0xf: {  	[smem:$0x3FAC] =	sst s7  }
0x10: {  	[smem:$0x3FAD] =	sst s8  }
0x11: {  	[smem:$0x3FAE] =	sst s9;
	s0 =	simm.s32 @!p0 $0x0  }
0x12: {  	s1 =	sld [smem:$0x3F94];
	s0 =	simm.s32 @p0 $0x1  }
0x13: {  	[smem:$0x3FAF] =	sst s0;
	s0 =	simm.s32 @!p1 $0x0  }
0x14: {  	s2 =	sld [smem:$0x3F93];
	s0 =	simm.s32 @p1 $0x1  }
0x15: {  	[smem:$0x3FB0] =	sst s0;
	s0 =	simm.s32 @!p2 $0x0  }
0x16: {  	s3 =	sld [smem:$0x3FDB];
	s0 =	simm.s32 @p2 $0x1  }
0x17: {  	s4 =	simm.s32 $0x1BF5;
	[smem:$0x3FB2] =	sst s0  }
0x18: {  	s0 =	sld [smem:$0x3F95];
	_ =	swait.ge [sflag:s4], $0x0  }
0x19: {  	s7 =	sld [smem:$0x3F96]  }
0x1a: {  	s8 =	sadd.s32 $0xFFFFE003, lr  }
0x1b: {  	s9 =	sadd.s32 $0xFFFFFEF7, lr;
	s5 =	simm.s32 $0xFFFFFFFF;
	p2 =	slt.u32 s8, $0xFFFFF086  }
0x1c: {  	p1 =	slt.u32 s9, $0xF7A;
	s5 =	simm.s32 @!p2 $0x0  }
0x1d: {  	s5 =	simm.s32 @p1 $0x1;
	p0 =	seq.s32 s7, s2  }
0x1e: {  	s7 =	smul.u32 @!p0 $0xF7A, s2;
	p2 =	seq.s32 @!p0 s5, $0x0  }
0x1f: {  	s9 =	smul.u32 $0xF7A, s1;
	s8 =	simm.s32 @!p0 $0x1BF5;
	p2 =	por !p2, p0  }
0x20: {  	[sflag:s8] =	ssyncset.s32 @!p0 $0xFFFFF086;
	s6 =	sadd.s32 @!p0 s3, s7;
	s7 =	simm.s32 @!p0 $0x108  }
0x21: {  	s3 =	sadd.s32 s3, s9;
	s6 =	sadd.s32 @!p0 $0x88, s6;
	s7 =	simm.s32 @p2 $0x1082  }
0x22: {  	[simem:s7], [sflag:s8] =	dma.local @!p0 [hbm:s6], $0xF7A  }
0x23: {  	s9 =	sor.u32 $0xD0000000, s2;
	s6 =	simm.s32 $0x108;
	_ =	swait.ge @!p0 [sflag:s8], $0x0  }
0x24: {  	s3 =	sadd.s32 $0x88, s3;
	s6 =	simm.s32 @!p1 $0x1082;
	[sflag:s4] =	ssyncset.s32 $0xFFFFF086  }
0x25: {  	[simem:s6], [sflag:s4] =	dma.local [hbm:s3], $0xF7A  }
0x26: {  	[smem:$0x3F96] =	sst s1;
	(tag) =	ssettag s2;
	_ =	strace s9  }
0x27: {  	s1 =	sld [smem:$0x3FA6]  }
0x28: {  	s2 =	sld [smem:$0x3FA7]  }
0x29: {  	s4 =	sld [smem:$0x3FA9]  }
0x2a: {  	p0 =	seq.s32 s5, $0x0;
	s5 =	sld [smem:$0x3FAA]  }
0x2b: {  	s6 =	sld [smem:$0x3FAB]  }
0x2c: {  	s7 =	sld [smem:$0x3FAC]  }
0x2d: {  	s3 =	simm.s32 $0x108;
	s8 =	sld [smem:$0x3FAD]  }
0x2e: {  	s3 =	simm.s32 @!p0 $0x1082;
	s9 =	sld [smem:$0x3FAE]  }
0x2f: {  	lr =	sadd.s32 s0, s3;
	s0 =	sld [smem:$0x3FA5]  }
0x30: {  	s3 =	sld [smem:$0x3FA8]  }
0x31: {  	[smem:$0x3FB1] =	sst s10  }
0x32: {  	s10 =	sld [smem:$0x3FAF];
	_ =	sdelay $0x3  }
0x33: {  	p0 =	seq.s32 s10, $0x1;
	s10 =	sld [smem:$0x3FB1];
	_ =	sdelay $0x3  }
0x34: {  	[smem:$0x3FB1] =	sst s10  }
0x35: {  	s10 =	sld [smem:$0x3FB0];
	_ =	sdelay $0x3  }
0x36: {  	p1 =	seq.s32 s10, $0x1;
	s10 =	sld [smem:$0x3FB1];
	_ =	sdelay $0x3  }
0x37: {  	[smem:$0x3FB1] =	sst s10  }
0x38: {  	s10 =	sld [smem:$0x3FB2]  }
0x39: {  	_ = 	snop;
	(pc) =	sbr.ind lr, $3  }
0x3a: {  	_ = 	snop  }
0x3b: {  	_ = 	snop  }
0x3c: {  	p2 =	seq.s32 s10, $0x1;
	s10 =	sld [smem:$0x3FB1]  }
0x3d: {  	_ =	shalt  }
0x3e: {  	_ =	shalt  }
0x3f: {  	_ =	shalt  }
0x40: {  	_ =	shalt  }
0x41: {  	_ =	shalt  }
0x42: {  	_ =	shalt  }
0x43: {  	_ =	shalt  }
0x44: {  	_ =	shalt  }
0x45: {  	_ =	shalt  }
0x46: {  	_ =	shalt  }
0x47: {  	_ =	shalt  }
0x48: {  	_ =	shalt  }
0x49: {  	_ =	shalt  }
0x4a: {  	_ =	shalt  }
0x4b: {  	_ =	shalt  }
0x4c: {  	_ =	shalt  }
0x4d: {  	_ =	shalt  }
0x4e: {  	_ =	shalt  }
0x4f: {  	_ =	shalt  }
0x50: {  	_ =	shalt  }
0x51: {  	_ =	shalt  }
0x52: {  	_ =	shalt  }
0x53: {  	_ =	shalt  }
0x54: {  	_ =	shalt  }
0x55: {  	_ =	shalt  }
0x56: {  	_ =	shalt  }
0x57: {  	_ =	shalt  }
0x58: {  	_ =	shalt  }
0x59: {  	_ =	shalt  }
0x5a: {  	_ =	shalt  }
0x5b: {  	_ =	shalt  }
0x5c: {  	_ =	shalt  }
0x5d: {  	_ =	shalt  }
0x5e: {  	_ =	shalt  }
0x5f: {  	_ =	shalt  }
0x60: {  	_ =	shalt  }
0x61: {  	_ =	shalt  }
0x62: {  	_ =	shalt  }
0x63: {  	_ =	shalt  }
0x64: {  	_ =	shalt  }
0x65: {  	_ =	shalt  }
0x66: {  	_ =	shalt  }
0x67: {  	_ =	shalt  }
0x68: {  	_ =	shalt  }
0x69: {  	_ =	shalt  }
0x6a: {  	_ =	shalt  }
0x6b: {  	_ =	shalt  }
0x6c: {  	_ =	shalt  }
0x6d: {  	_ =	shalt  }
0x6e: {  	_ =	shalt  }
0x6f: {  	_ =	shalt  }
0x70: {  	_ =	shalt  }
0x71: {  	_ =	shalt  }
0x72: {  	_ =	shalt  }
0x73: {  	_ =	shalt  }
0x74: {  	_ =	shalt  }
0x75: {  	_ =	shalt  }
0x76: {  	_ =	shalt  }
0x77: {  	_ =	shalt  }
0x78: {  	_ =	shalt  }
0x79: {  	_ =	shalt  }
0x7a: {  	_ =	shalt  }
0x7b: {  	_ =	shalt  }
0x7c: {  	_ =	shalt  }
0x7d: {  	_ =	shalt  }
0x7e: {  	_ =	shalt  }
0x7f: {  	_ =	shalt  }
0x80: {  	_ =	shalt  }
0x81: {  	_ =	shalt  }
0x82: {  	_ =	shalt  }
0x83: {  	_ =	shalt  }
0x84: {  	_ =	shalt  }
0x85: {  	_ =	shalt  }
0x86: {  	_ =	shalt  }
0x87: {  	_ =	shalt  }
.Lfunc_end0:
.L_simem_size_0:
called_computation.2_lowered:
.L_overlay_start_0:
0x88: {  	s2 =	sld [smem:$0x3FD9]  }
0x89: {  	s3 =	sld [smem:$0x3FFE];
	_ =	sdelay $0x1  }
0x8a: {  	s1 =	srdreg.scid  }
0x8b: {  	s0 =	sand.u32 $0x1, s1  }
0x8c: {  	s17 =	sshll.u32 s0, $0xA;
	s2 =	sadd.s32 s3, s2  }
0x8d: {  	s2 =	sadd.s32 s2, s17  }
0x8e: {  	[smem:$0x3FBD] =	sst s2  }
0x8f: {  	_ = 	snop  }
0x90: {  	s2 =	sld [smem:$0x3FD0];
	(tm) =	ssettm $0x1  }
0x91: {  	s18 =	sld [smem:$0x3FFB];
	_ =	sdelay $0x3  }
0x92: {  	_ =	strace s18  }
0x93: {  	s3 =	sld [smem:$0x3FFC];
	_ =	sdelay $0x3  }
0x94: {  	_ =	strace s3  }
0x95: {  	s3 =	sld [smem:$0x3FFD];
	_ =	sdelay $0x3  }
0x96: {  	_ =	strace s3  }
0x97: {  	_ =	strace $0x8FFFFFFF  }
0x98: {  	s19 =	sld [smem:$0x3FDB];
	_ =	sdelay $0x1  }
0x99: {  	s4 =	simm.s32 $_scs_section_size  }
0x9a: {  	s5 =	simm.s32 $_size__tile_overlayer_lowered;
	s6 =	simm.s32 $_tile_overlayer_lowered  }
0x9b: {  	s22 =	simm.s32 $0x1BFF;
	s21 =	sshll.u32 s6, $0x1;
	s3 =	sadd.s32 s4, s19  }
0x9c: {  	s7 =	simm.s32 $0x0;
	s20 =	sshll.u32 s5, $0x1;
	s5 =	sadd.s32 s21, s3  }
0x9d: {  	[timem:s7], [sflag:s22] =	dma.local [hbm:s5], s20  }
0x9e: {  	_ =	swait.ge [sflag:s22], s20  }
0x9f: {  	s4 =	ssub.s32 $0x0, s20;
	[sflag:s22] =	ssyncset.done $0x0  }
0xa0: {  	[sflag:s22] =	ssyncadd.s32 s4;
	_ =	sdelay $0x1  }
0xa1: {  	s23 =	simm.s32 $0x1B8B  }
0xa2: {  	_ =	swait.ge [sflag:s23], $0x1  }
0xa3: {  	[sflag:s23] =	ssyncset.done $0x0  }
0xa4: {  	s25 =	simm.s32 $0x1B8E;
	s24 =	sld [smem:$0x3FFE];
	[sflag:s23] =	ssyncadd.s32 $0xFFFFFFFF  }
0xa5: {  	s26 =	simm.s32 $execute0_lowered;
	[smem:$0x3FD2] =	sst s25  }
0xa6: {  	s5 =	sshll.u32 s26, $0x1;
	_ =	strace $0x8000004C;
	[dreg:$0x1] =	wrdreg $0xFFFFFFFF  }
0xa7: {  	s28 =	simm.s32 $_size_execute0_lowered;
	s3 =	sadd.s32 s3, s5;
	[dreg:$0x0] =	wrdreg $0x0  }
0xa8: {  	s5 =	sshll.u32 s28, $0x1;
	[dreg:$0x2] =	wrdreg s3  }
0xa9: {  	[dreg:$0x3] =	wrdreg s5  }
0xaa: {  	[dreg:$0x4] =	wrdreg $0xC0  }
0xab: {  	_ =	task [dreg:s7], $0x5FFFF  }
0xac: {  	[dreg:$0x1] =	wrdreg $0xFFFFFFFF  }
0xad: {  	[dreg:$0x0] =	wrdreg $0x60  }
0xae: {  	[dreg:$0x2] =	wrdreg s24  }
0xaf: {  	[dreg:$0x3] =	wrdreg s2  }
0xb0: {  	[dreg:$0x4] =	wrdreg $0xA8000  }
0xb1: {  	[dreg:$0x5] =	wrdreg $0x9  }
0xb2: {  	_ =	task.clear_ibuf [dreg:s7], $0x6FFFF;
	_ =	strace $0x9000004C  }
0xb3: {  	s29 =	simm.s32 $0x9;
	_ =	strace $0x8000004E  }
0xb4: {  	_ =	swait.ge [sflag:s29], $0x1  }
0xb5: {  	[sflag:s29] =	ssyncadd.s32 $0xFFFFFFFF  }
0xb6: {  	_ =	strace $0x9000004E  }
0xb7: {  	_ =	sfence  }
0xb8: {  	s30 =	sld [smem:$0x0];
	_ =	sdelay $0x2  }
0xb9: {  	s31 =	sshll.u32 s1, $0xD;
	s1 =	sshrl.u32 s1, $0x2  }
0xba: {  	s3 =	sand.u32 $0x4000, s31;
	s1 =	sadd.s32 s1, s30  }
0xbb: {  	s0 =	sor.u32 s3, s0;
	s1 =	sshll.u32 s1, $0x11  }
0xbc: {  	s0 =	sor.u32 s1, s0  }
0xbd: {  	s0 =	sadd.s32 $0x8F2B, s0  }
0xbe: {  	[sflag:s0] =	ssyncadd.remote.s32 $0x1  }
0xbf: {  	_ =	sfence.sel $0xFFFF  }
0xc0: {  	[dreg:$0x0] =	wrdreg $0xFFFFFFFF;
	(pc) =	sbr.abs _section_cstart, $3  }
0xc1: {  	[dreg:$0x1] =	wrdreg $0xFFFFFFFF  }
0xc2: {  	_ =	task.clear_ibuf [dreg:s7], $0x2FFFF;
	_ =	strace $0x9FFFFFFF  }
0xc3: {  	(tm) =	ssettm $0x7FFFFFFF  }
tec
execute0_lowered:
.L_overlay_start_1:
0x0: {  	(tag) =	ssettag $0x1  }
0x1: {  	s5 =	rddreg [dreg:$0x0]  }
0x2: {  	s11 =	rddreg [dreg:$0x1]  }
0x3: {  	s2 =	rddreg [dreg:$0x2]  }
0x4: {  	s0 =	rddreg [dreg:$0x3];
	s1 =	stileid.u32  }
0x5: {  	s4 =	srdreg.scid;
	s3 =	simm.s32 $0x0;
	s15 =	simm.s32 $0x1400  }
0x6: {  	s16 =	simm.s32 $0x80;
	s17 =	simm.s32 $0x2800;
	s18 =	simm.s32 $0x1  }
0x7: {  	s19 =	simm.s32 $0x6800;
	s20 =	simm.s32 $0x2;
	s21 =	simm.s32 $0x1480  }
0x8: {  	s22 =	simm.s32 $0x3;
	s23 =	simm.s32 $0x100;
	s6 =	smul.u32 $0x14000, s1  }
0x9: {  	s7 =	sand.u32 $0x1, s4;
	[smem:$0x7FF] =	sst s3;
	s4 =	sadd.s32 $0xD200, s5  }
0xa: {  	s12 =	sadd.s32 $0x3200, s5;
	s13 =	smul.u32 $0x50000, s1;
	s29 =	sshll.u32 s1, $0x6  }
0xb: {  	s8 =	smul.u32 $0x140000, s7;
	_ =	strace $0x8000004D;
	s25 =	ssub.s32 $0x2, s7  }
0xc: {  	s7 =	sshll.u32 s7, $0x4;
	s9 =	sshrl.u32 s6, $0x3;
	s10 =	sshrl.u32 s25, $0x1  }
0xd: {  	s26 =	sor.u32 s1, s7;
	s28 =	sshrl.u32 s13, $0x2;
	s6 =	sadd.s32 s6, s8  }
0xe: {  	s24 =	sadd.s32 s9, s5;
	s9 =	ssub.s32 s25, s10;
	s30 =	smul.u32 $0x2800, s26  }
0xf: {  	s13 =	sadd.s32 s28, s2;
	s25 =	simm.s32 $0x0;
	s6 =	sshrl.u32 s6, $0x3  }
.Ltmp0:
0x10: {  	s8 =	smax.u32 s9, $0x1;
	s13 =	sshrl.u32 s13, $0x3;
	(pc) =	sbr.rel .LBB2_1-.Ltmp0, $4  }
0x11: {  	s14 =	sadd.s32 s6, s5;
	s5 =	sadd.s32 $0x35200, s24;
	s6 =	sor.u32 $0x1C05, s29  }
0x12: {  	s31 =	sshrl.u32 s30, $0x3;
	s24 =	simm.s32 $0x4;
	s7 =	sadd.s32 $0x5D200, s14  }
0x13: {  	s9 =	sadd.s32 s11, s31;
	s10 =	sadd.s32 s12, s31;
	s14 =	sadd.s32 $0x280, s31  }
0x14: {  	s11 =	sadd.s32 s11, s14;
	s12 =	sadd.s32 s12, s14;
	s14 =	simm.s32 $0x5  }
.LBB2_7:
0x15: {  	_ =	swait.ge [sflag:s24], $0x4000  }
0x16: {  	s25 =	sadd.s32 $0x1, s25;
	[sflag:s24] =	ssyncset.done $0x0  }
0x17: {  	p0 =	sne.s32 s25, s8;
	[sflag:s24] =	ssyncadd.s32 $0xFFFFC000  }
.Ltmp1:
0x18: {  	[bflag:$0x0] =	sbarrier.arrive $0xFFFF;
	(pc) =	sbr.rel @!p0 .LBB2_8-.Ltmp1, $4  }
0x19: {  	[hbm:s7], [sflag:s6] =	dma.local [spmem:s13], $0x2800  }
0x1a: {  	_ =	swait.ge [sflag:s14], $0x2800  }
0x1b: {  	[sflag:s14] =	ssyncset.done $0x0  }
0x1c: {  	[sflag:s14] =	ssyncadd.s32 $0xFFFFD800  }
.LBB2_1:
0x1d: {  	[spmem:s13], [sflag:s6] =	dma.local [hbm:s5], $0x2800  }
0x1e: {  	_ =	swait.ge [sflag:s14], $0x2800  }
0x1f: {  	[sflag:s14] =	ssyncset.done $0x0  }
0x20: {  	[sflag:s14] =	ssyncadd.s32 $0xFFFFD800  }
0x21: {  	[bflag:$0x0] =	sbarrier.arrive $0xFFFF  }
0x22: {  	[tilespmem:s3], [sflag:$0x5] =	stream.linear.gather [hbm4b:s9+s3], $0x1400, $0x38;
	[tilespmem:$0x1E800] =	vst v63  }
0x23: {  	_ =	swait.ge [sflag:s14], $0x1400  }
0x24: {  	[sflag:s14] =	ssyncset.done $0x0  }
0x25: {  	[sflag:s14] =	ssyncadd.s32 $0xFFFFEC00  }
0x26: {  	[tilespmem:s15], [sflag:$0x5] =	stream.linear.gather [hbm4b:s10+s3], $0x1400, $0x38;
	[tilespmem:$0x1E800] =	vst v63  }
0x27: {  	_ =	swait.ge [sflag:s14], $0x1400  }
0x28: {  	[sflag:s14] =	ssyncset.done $0x0  }
0x29: {  	[sflag:s14] =	ssyncadd.s32 $0xFFFFEC00  }
0x2a: {  	[tilespmem:s17], [sflag:$0x1] =	stream.indirect.gather [hbm4b:s4+s16], $0x80, s3, s16, $0xb8;
	[tilespmem:$0x1E800] =	vst v63  }
0x2b: {  	_ =	swait.ge [sflag:s18], $0x4000  }
0x2c: {  	[sflag:s18] =	ssyncset.done $0x0  }
0x2d: {  	[sflag:s18] =	ssyncadd.s32 $0xFFFFC000  }
0x2e: {  	[spmem:s2] =	stream.indirect.scatter.add.f32 [tilespmem:s17], [sflag:$0x3], $0x80, s15, s16, $0xb8;
	[tilespmem:$0x1E800] =	vst v63  }
0x2f: {  	_ = 	snop  }
0x30: {  	[tilespmem:s19], [sflag:$0x2] =	stream.indirect.gather [hbm4b:s4+s16], $0x80, s16, s16, $0xb8;
	[tilespmem:$0x1E800] =	vst v63  }
0x31: {  	_ =	swait.ge [sflag:s20], $0x4000  }
0x32: {  	[sflag:s20] =	ssyncset.done $0x0  }
0x33: {  	[sflag:s20] =	ssyncadd.s32 $0xFFFFC000  }
0x34: {  	[spmem:s2] =	stream.indirect.scatter.add.f32 [tilespmem:s19], [sflag:$0x4], $0x80, s21, s16, $0xb8;
	[tilespmem:$0x1E800] =	vst v63  }
0x35: {  	_ =	swait.ge [sflag:s22], $0x4000  }
0x36: {  	[sflag:s22] =	ssyncset.done $0x0  }
0x37: {  	s26 =	simm.s32 $0xFFFFB800;
	[sflag:s22] =	ssyncadd.s32 $0xFFFFC000  }
0x38: {  	[tilespmem:s17], [sflag:$0x1] =	stream.indirect.gather [hbm4b:s4+s16], $0x80, s23, s16, $0xb8;
	[tilespmem:$0x1E800] =	vst v63  }
.LBB2_2:
0x39: {  	_ =	swait.ge [sflag:s18], $0x4000  }
0x3a: {  	s28 =	sshra.s32 s26, $0x2;
	[sflag:s18] =	ssyncset.done $0x0  }
0x3b: {  	s29 =	sadd.s32 $0x2700, s28;
	[sflag:s18] =	ssyncadd.s32 $0xFFFFC000  }
0x3c: {  	[spmem:s2] =	stream.indirect.scatter.add.f32 [tilespmem:s17], [sflag:$0x3], $0x80, s29, s16, $0xb8;
	[tilespmem:$0x1E800] =	vst v63  }
0x3d: {  	_ =	swait.ge [sflag:s24], $0x4000  }
0x3e: {  	[sflag:s24] =	ssyncset.done $0x0  }
0x3f: {  	s30 =	sadd.s32 $0x1380, s28;
	[sflag:s24] =	ssyncadd.s32 $0xFFFFC000  }
0x40: {  	[tilespmem:s19], [sflag:$0x2] =	stream.indirect.gather [hbm4b:s4+s16], $0x80, s30, s16, $0xb8;
	[tilespmem:$0x1E800] =	vst v63  }
0x41: {  	_ =	swait.ge [sflag:s20], $0x4000  }
0x42: {  	p0 =	seq.s32 s26, $0x0;
	[sflag:s20] =	ssyncset.done $0x0  }
.Ltmp2:
0x43: {  	s31 =	sadd.s32 $0x2780, s28;
	[sflag:s20] =	ssyncadd.s32 $0xFFFFC000;
	(pc) =	sbr.rel @p0 .LBB2_4-.Ltmp2, $4  }
0x44: {  	[spmem:s2] =	stream.indirect.scatter.add.f32 [tilespmem:s19], [sflag:$0x4], $0x80, s31, s16, $0xb8;
	[tilespmem:$0x1E800] =	vst v63  }
0x45: {  	_ =	swait.ge [sflag:s22], $0x4000  }
0x46: {  	[sflag:s22] =	ssyncset.done $0x0  }
0x47: {  	[sflag:s22] =	ssyncadd.s32 $0xFFFFC000  }
.Ltmp3:
0x48: {  	(pc) =	sbr.rel .LBB2_2-.Ltmp3, $3  }
0x49: {  	_ =	sdelay $0x1  }
0x4a: {  	s28 =	sadd.s32 $0x1400, s28;
	s26 =	sadd.s32 $0x400, s26  }
0x4b: {  	[tilespmem:s17], [sflag:$0x1] =	stream.indirect.gather [hbm4b:s4+s16], $0x80, s28, s16, $0xb8;
	[tilespmem:$0x1E800] =	vst v63  }
.LBB2_4:
0x4c: {  	_ =	swait.ge [sflag:s24], $0x4000  }
0x4d: {  	[sflag:s24] =	ssyncset.done $0x0  }
0x4e: {  	[sflag:s24] =	ssyncadd.s32 $0xFFFFC000  }
0x4f: {  	[tilespmem:s3], [sflag:$0x5] =	stream.linear.gather [hbm4b:s11+s3], $0x1400, $0x38;
	[tilespmem:$0x1E800] =	vst v63  }
0x50: {  	_ =	swait.ge [sflag:s14], $0x1400  }
0x51: {  	[sflag:s14] =	ssyncset.done $0x0  }
0x52: {  	[sflag:s14] =	ssyncadd.s32 $0xFFFFEC00  }
0x53: {  	[tilespmem:s15], [sflag:$0x5] =	stream.linear.gather [hbm4b:s12+s3], $0x1400, $0x38;
	[tilespmem:$0x1E800] =	vst v63  }
0x54: {  	_ =	swait.ge [sflag:s14], $0x1400  }
0x55: {  	[sflag:s14] =	ssyncset.done $0x0  }
0x56: {  	[sflag:s14] =	ssyncadd.s32 $0xFFFFEC00  }
0x57: {  	[tilespmem:s17], [sflag:$0x1] =	stream.indirect.gather [hbm4b:s4+s16], $0x80, s3, s16, $0xb8;
	[tilespmem:$0x1E800] =	vst v63  }
0x58: {  	_ =	swait.ge [sflag:s18], $0x4000  }
0x59: {  	[sflag:s18] =	ssyncset.done $0x0  }
0x5a: {  	[sflag:s18] =	ssyncadd.s32 $0xFFFFC000  }
0x5b: {  	[spmem:s2] =	stream.indirect.scatter.add.f32 [tilespmem:s17], [sflag:$0x3], $0x80, s15, s16, $0xb8;
	[tilespmem:$0x1E800] =	vst v63  }
0x5c: {  	_ = 	snop  }
0x5d: {  	[tilespmem:s19], [sflag:$0x2] =	stream.indirect.gather [hbm4b:s4+s16], $0x80, s16, s16, $0xb8;
	[tilespmem:$0x1E800] =	vst v63  }
0x5e: {  	_ =	swait.ge [sflag:s20], $0x4000  }
0x5f: {  	[sflag:s20] =	ssyncset.done $0x0  }
0x60: {  	[sflag:s20] =	ssyncadd.s32 $0xFFFFC000  }
0x61: {  	[spmem:s2] =	stream.indirect.scatter.add.f32 [tilespmem:s19], [sflag:$0x4], $0x80, s21, s16, $0xb8;
	[tilespmem:$0x1E800] =	vst v63  }
0x62: {  	_ =	swait.ge [sflag:s22], $0x4000  }
0x63: {  	[sflag:s22] =	ssyncset.done $0x0  }
0x64: {  	s26 =	simm.s32 $0xFFFFB800;
	[sflag:s22] =	ssyncadd.s32 $0xFFFFC000  }
0x65: {  	[tilespmem:s17], [sflag:$0x1] =	stream.indirect.gather [hbm4b:s4+s16], $0x80, s23, s16, $0xb8;
	[tilespmem:$0x1E800] =	vst v63  }
.LBB2_5:
0x66: {  	_ =	swait.ge [sflag:s18], $0x4000  }
0x67: {  	s28 =	sshra.s32 s26, $0x2;
	[sflag:s18] =	ssyncset.done $0x0  }
0x68: {  	s29 =	sadd.s32 $0x2700, s28;
	[sflag:s18] =	ssyncadd.s32 $0xFFFFC000  }
0x69: {  	[spmem:s2] =	stream.indirect.scatter.add.f32 [tilespmem:s17], [sflag:$0x3], $0x80, s29, s16, $0xb8;
	[tilespmem:$0x1E800] =	vst v63  }
0x6a: {  	_ =	swait.ge [sflag:s24], $0x4000  }
0x6b: {  	[sflag:s24] =	ssyncset.done $0x0  }
0x6c: {  	s30 =	sadd.s32 $0x1380, s28;
	[sflag:s24] =	ssyncadd.s32 $0xFFFFC000  }
0x6d: {  	[tilespmem:s19], [sflag:$0x2] =	stream.indirect.gather [hbm4b:s4+s16], $0x80, s30, s16, $0xb8;
	[tilespmem:$0x1E800] =	vst v63  }
0x6e: {  	_ =	swait.ge [sflag:s20], $0x4000  }
0x6f: {  	p0 =	seq.s32 s26, $0x0;
	[sflag:s20] =	ssyncset.done $0x0  }
.Ltmp4:
0x70: {  	s31 =	sadd.s32 $0x2780, s28;
	[sflag:s20] =	ssyncadd.s32 $0xFFFFC000;
	(pc) =	sbr.rel @p0 .LBB2_7-.Ltmp4, $4  }
0x71: {  	[spmem:s2] =	stream.indirect.scatter.add.f32 [tilespmem:s19], [sflag:$0x4], $0x80, s31, s16, $0xb8;
	[tilespmem:$0x1E800] =	vst v63  }
0x72: {  	_ =	swait.ge [sflag:s22], $0x4000  }
0x73: {  	[sflag:s22] =	ssyncset.done $0x0  }
0x74: {  	[sflag:s22] =	ssyncadd.s32 $0xFFFFC000  }
.Ltmp5:
0x75: {  	(pc) =	sbr.rel .LBB2_5-.Ltmp5, $3  }
0x76: {  	_ =	sdelay $0x1  }
0x77: {  	s28 =	sadd.s32 $0x1400, s28;
	s26 =	sadd.s32 $0x400, s26  }
0x78: {  	[tilespmem:s17], [sflag:$0x1] =	stream.indirect.gather [hbm4b:s4+s16], $0x80, s28, s16, $0xb8;
	[tilespmem:$0x1E800] =	vst v63  }
.LBB2_8:
0x79: {  	_ =	sfence.sel $0x180000  }
0x7a: {  	[bflag:$0x0] =	sbarrier.arrive $0xFFFF  }
0x7b: {  	p0 =	sne.s32 s1, $0x0;
	_ =	strace $0x9000004D  }
0x7c: {  	s0 =	sadd.s32 @!p0 $0x100000, s0;
	[bflag:$0x2] =	sbarrier.arrive $0xFFFF  }
0x7d: {  	[sflag:s0] =	ssyncadd.tile.s32 @!p0 $0x1;
	_ =	shalt  }
.Lfunc_end2:
_tile_overlayer_lowered:
.L_overlay_start_2:
0x7e: {  	(tag) =	ssettag $0x2  }
0x7f: {  	s0 =	rddreg [dreg:$0x0];
	s2 =	stileid.u32  }
0x80: {  	s1 =	rddreg [dreg:$0x1];
	p0 =	sne.s32 s2, $0x0  }
0x81: {  	s3 =	rddreg [dreg:$0x2];
	[bflag:$0x3] =	sbarrier.arrive $0xFFFF;
	s2 =	simm.s32 @!p0 $0x1C05  }
0x82: {  	[timem:s3], [sflag:s2] =	dma.local @!p0 [hbm:s0], s1  }
0x83: {  	s0 =	simm.s32 @!p0 $0x5  }
0x84: {  	_ =	swait.ge @!p0 [sflag:s0], s1  }
0x85: {  	s1 =	ssub.s32 @!p0 $0x0, s1;
	[sflag:s0] =	ssyncset.done @!p0 $0x0  }
0x86: {  	[sflag:s0] =	ssyncadd.s32 @!p0 s1  }
0x87: {  	[bflag:$0x3] =	sbarrier.arrive $0xFFFF  }
0x88: {  	_ =	shalt  }

// kernel: kernel.18.cloned.1.call-start
scs
__scs_entry_jumppad:
0x0: {  	(pc) =	sbr.rel $0x88, $3  }
0x1: {  	(tag) =	ssettag $0x0;
	lr =	simm.s32 $0x1  }
0x2: {  	[smem:$0x3F96] =	sst lr;
	_ =	strace $0xD0000000  }
0x3: {  	_ = 	snop  }
0x4: {  	_ = 	snop  }
0x5: {  	_ = 	snop  }
0x6: {  	_ = 	snop  }
0x7: {  	_ = 	snop  }
__scs_overlays_trampoline_lowered:
0x8: {  	[smem:$0x3FA5] =	sst s0  }
0x9: {  	[smem:$0x3FA6] =	sst s1  }
0xa: {  	[smem:$0x3FA7] =	sst s2  }
0xb: {  	[smem:$0x3FA8] =	sst s3  }
0xc: {  	[smem:$0x3FA9] =	sst s4  }
0xd: {  	[smem:$0x3FAA] =	sst s5  }
0xe: {  	[smem:$0x3FAB] =	sst s6  }
0xf: {  	[smem:$0x3FAC] =	sst s7  }
0x10: {  	[smem:$0x3FAD] =	sst s8  }
0x11: {  	[smem:$0x3FAE] =	sst s9;
	s0 =	simm.s32 @!p0 $0x0  }
0x12: {  	s1 =	sld [smem:$0x3F94];
	s0 =	simm.s32 @p0 $0x1  }
0x13: {  	[smem:$0x3FAF] =	sst s0;
	s0 =	simm.s32 @!p1 $0x0  }
0x14: {  	s2 =	sld [smem:$0x3F93];
	s0 =	simm.s32 @p1 $0x1  }
0x15: {  	[smem:$0x3FB0] =	sst s0;
	s0 =	simm.s32 @!p2 $0x0  }
0x16: {  	s3 =	sld [smem:$0x3FDB];
	s0 =	simm.s32 @p2 $0x1  }
0x17: {  	s4 =	simm.s32 $0x1BF5;
	[smem:$0x3FB2] =	sst s0  }
0x18: {  	s0 =	sld [smem:$0x3F95];
	_ =	swait.ge [sflag:s4], $0x0  }
0x19: {  	s7 =	sld [smem:$0x3F96]  }
0x1a: {  	s8 =	sadd.s32 $0xFFFFE003, lr  }
0x1b: {  	s9 =	sadd.s32 $0xFFFFFEF7, lr;
	s5 =	simm.s32 $0xFFFFFFFF;
	p2 =	slt.u32 s8, $0xFFFFF086  }
0x1c: {  	p1 =	slt.u32 s9, $0xF7A;
	s5 =	simm.s32 @!p2 $0x0  }
0x1d: {  	s5 =	simm.s32 @p1 $0x1;
	p0 =	seq.s32 s7, s2  }
0x1e: {  	s7 =	smul.u32 @!p0 $0xF7A, s2;
	p2 =	seq.s32 @!p0 s5, $0x0  }
0x1f: {  	s9 =	smul.u32 $0xF7A, s1;
	s8 =	simm.s32 @!p0 $0x1BF5;
	p2 =	por !p2, p0  }
0x20: {  	[sflag:s8] =	ssyncset.s32 @!p0 $0xFFFFF086;
	s6 =	sadd.s32 @!p0 s3, s7;
	s7 =	simm.s32 @!p0 $0x108  }
0x21: {  	s3 =	sadd.s32 s3, s9;
	s6 =	sadd.s32 @!p0 $0x88, s6;
	s7 =	simm.s32 @p2 $0x1082  }
0x22: {  	[simem:s7], [sflag:s8] =	dma.local @!p0 [hbm:s6], $0xF7A  }
0x23: {  	s9 =	sor.u32 $0xD0000000, s2;
	s6 =	simm.s32 $0x108;
	_ =	swait.ge @!p0 [sflag:s8], $0x0  }
0x24: {  	s3 =	sadd.s32 $0x88, s3;
	s6 =	simm.s32 @!p1 $0x1082;
	[sflag:s4] =	ssyncset.s32 $0xFFFFF086  }
0x25: {  	[simem:s6], [sflag:s4] =	dma.local [hbm:s3], $0xF7A  }
0x26: {  	[smem:$0x3F96] =	sst s1;
	(tag) =	ssettag s2;
	_ =	strace s9  }
0x27: {  	s1 =	sld [smem:$0x3FA6]  }
0x28: {  	s2 =	sld [smem:$0x3FA7]  }
0x29: {  	s4 =	sld [smem:$0x3FA9]  }
0x2a: {  	p0 =	seq.s32 s5, $0x0;
	s5 =	sld [smem:$0x3FAA]  }
0x2b: {  	s6 =	sld [smem:$0x3FAB]  }
0x2c: {  	s7 =	sld [smem:$0x3FAC]  }
0x2d: {  	s3 =	simm.s32 $0x108;
	s8 =	sld [smem:$0x3FAD]  }
0x2e: {  	s3 =	simm.s32 @!p0 $0x1082;
	s9 =	sld [smem:$0x3FAE]  }
0x2f: {  	lr =	sadd.s32 s0, s3;
	s0 =	sld [smem:$0x3FA5]  }
0x30: {  	s3 =	sld [smem:$0x3FA8]  }
0x31: {  	[smem:$0x3FB1] =	sst s10  }
0x32: {  	s10 =	sld [smem:$0x3FAF];
	_ =	sdelay $0x3  }
0x33: {  	p0 =	seq.s32 s10, $0x1;
	s10 =	sld [smem:$0x3FB1];
	_ =	sdelay $0x3  }
0x34: {  	[smem:$0x3FB1] =	sst s10  }
0x35: {  	s10 =	sld [smem:$0x3FB0];
	_ =	sdelay $0x3  }
0x36: {  	p1 =	seq.s32 s10, $0x1;
	s10 =	sld [smem:$0x3FB1];
	_ =	sdelay $0x3  }
0x37: {  	[smem:$0x3FB1] =	sst s10  }
0x38: {  	s10 =	sld [smem:$0x3FB2]  }
0x39: {  	_ = 	snop;
	(pc) =	sbr.ind lr, $3  }
0x3a: {  	_ = 	snop  }
0x3b: {  	_ = 	snop  }
0x3c: {  	p2 =	seq.s32 s10, $0x1;
	s10 =	sld [smem:$0x3FB1]  }
0x3d: {  	_ =	shalt  }
0x3e: {  	_ =	shalt  }
0x3f: {  	_ =	shalt  }
0x40: {  	_ =	shalt  }
0x41: {  	_ =	shalt  }
0x42: {  	_ =	shalt  }
0x43: {  	_ =	shalt  }
0x44: {  	_ =	shalt  }
0x45: {  	_ =	shalt  }
0x46: {  	_ =	shalt  }
0x47: {  	_ =	shalt  }
0x48: {  	_ =	shalt  }
0x49: {  	_ =	shalt  }
0x4a: {  	_ =	shalt  }
0x4b: {  	_ =	shalt  }
0x4c: {  	_ =	shalt  }
0x4d: {  	_ =	shalt  }
0x4e: {  	_ =	shalt  }
0x4f: {  	_ =	shalt  }
0x50: {  	_ =	shalt  }
0x51: {  	_ =	shalt  }
0x52: {  	_ =	shalt  }
0x53: {  	_ =	shalt  }
0x54: {  	_ =	shalt  }
0x55: {  	_ =	shalt  }
0x56: {  	_ =	shalt  }
0x57: {  	_ =	shalt  }
0x58: {  	_ =	shalt  }
0x59: {  	_ =	shalt  }
0x5a: {  	_ =	shalt  }
0x5b: {  	_ =	shalt  }
0x5c: {  	_ =	shalt  }
0x5d: {  	_ =	shalt  }
0x5e: {  	_ =	shalt  }
0x5f: {  	_ =	shalt  }
0x60: {  	_ =	shalt  }
0x61: {  	_ =	shalt  }
0x62: {  	_ =	shalt  }
0x63: {  	_ =	shalt  }
0x64: {  	_ =	shalt  }
0x65: {  	_ =	shalt  }
0x66: {  	_ =	shalt  }
0x67: {  	_ =	shalt  }
0x68: {  	_ =	shalt  }
0x69: {  	_ =	shalt  }
0x6a: {  	_ =	shalt  }
0x6b: {  	_ =	shalt  }
0x6c: {  	_ =	shalt  }
0x6d: {  	_ =	shalt  }
0x6e: {  	_ =	shalt  }
0x6f: {  	_ =	shalt  }
0x70: {  	_ =	shalt  }
0x71: {  	_ =	shalt  }
0x72: {  	_ =	shalt  }
0x73: {  	_ =	shalt  }
0x74: {  	_ =	shalt  }
0x75: {  	_ =	shalt  }
0x76: {  	_ =	shalt  }
0x77: {  	_ =	shalt  }
0x78: {  	_ =	shalt  }
0x79: {  	_ =	shalt  }
0x7a: {  	_ =	shalt  }
0x7b: {  	_ =	shalt  }
0x7c: {  	_ =	shalt  }
0x7d: {  	_ =	shalt  }
0x7e: {  	_ =	shalt  }
0x7f: {  	_ =	shalt  }
0x80: {  	_ =	shalt  }
0x81: {  	_ =	shalt  }
0x82: {  	_ =	shalt  }
0x83: {  	_ =	shalt  }
0x84: {  	_ =	shalt  }
0x85: {  	_ =	shalt  }
0x86: {  	_ =	shalt  }
0x87: {  	_ =	shalt  }
.Lfunc_end0:
.L_simem_size_0:
called_computation.3_lowered:
.L_overlay_start_0:
0x88: {  	s2 =	sld [smem:$0x3FD9]  }
0x89: {  	s3 =	sld [smem:$0x3FFE];
	_ =	sdelay $0x1  }
0x8a: {  	s1 =	srdreg.scid  }
0x8b: {  	s0 =	sand.u32 $0x1, s1  }
0x8c: {  	s17 =	sshll.u32 s0, $0xA;
	s2 =	sadd.s32 s3, s2  }
0x8d: {  	s2 =	sadd.s32 s2, s17  }
0x8e: {  	[smem:$0x3FBD] =	sst s2  }
0x8f: {  	_ = 	snop  }
0x90: {  	s2 =	sld [smem:$0x3FD0];
	(tm) =	ssettm $0x1  }
0x91: {  	s18 =	sld [smem:$0x3FFB];
	_ =	sdelay $0x3  }
0x92: {  	_ =	strace s18  }
0x93: {  	s3 =	sld [smem:$0x3FFC];
	_ =	sdelay $0x3  }
0x94: {  	_ =	strace s3  }
0x95: {  	s3 =	sld [smem:$0x3FFD];
	_ =	sdelay $0x3  }
0x96: {  	_ =	strace s3  }
0x97: {  	_ =	strace $0x8FFFFFFF  }
0x98: {  	s19 =	sld [smem:$0x3FDB];
	_ =	sdelay $0x1  }
0x99: {  	s4 =	simm.s32 $_scs_section_size  }
0x9a: {  	s5 =	simm.s32 $_size__tile_overlayer_lowered;
	s6 =	simm.s32 $_tile_overlayer_lowered  }
0x9b: {  	s22 =	simm.s32 $0x1BFF;
	s21 =	sshll.u32 s6, $0x1;
	s3 =	sadd.s32 s4, s19  }
0x9c: {  	s7 =	simm.s32 $0x0;
	s20 =	sshll.u32 s5, $0x1;
	s5 =	sadd.s32 s21, s3  }
0x9d: {  	[timem:s7], [sflag:s22] =	dma.local [hbm:s5], s20  }
0x9e: {  	_ =	swait.ge [sflag:s22], s20  }
0x9f: {  	s4 =	ssub.s32 $0x0, s20;
	[sflag:s22] =	ssyncset.done $0x0  }
0xa0: {  	[sflag:s22] =	ssyncadd.s32 s4;
	_ =	sdelay $0x1  }
0xa1: {  	s23 =	simm.s32 $0x1B8B  }
0xa2: {  	_ =	swait.ge [sflag:s23], $0x1  }
0xa3: {  	[sflag:s23] =	ssyncset.done $0x0  }
0xa4: {  	s25 =	simm.s32 $0x1B8E;
	s24 =	sld [smem:$0x3FFE];
	[sflag:s23] =	ssyncadd.s32 $0xFFFFFFFF  }
0xa5: {  	s26 =	simm.s32 $execute0_lowered;
	[smem:$0x3FD2] =	sst s25  }
0xa6: {  	s5 =	sshll.u32 s26, $0x1;
	_ =	strace $0x8000004F;
	[dreg:$0x1] =	wrdreg $0xFFFFFFFF  }
0xa7: {  	s28 =	simm.s32 $_size_execute0_lowered;
	s3 =	sadd.s32 s3, s5;
	[dreg:$0x0] =	wrdreg $0x0  }
0xa8: {  	s5 =	sshll.u32 s28, $0x1;
	[dreg:$0x2] =	wrdreg s3  }
0xa9: {  	[dreg:$0x3] =	wrdreg s5  }
0xaa: {  	[dreg:$0x4] =	wrdreg $0xC0  }
0xab: {  	_ =	task [dreg:s7], $0x5FFFF  }
0xac: {  	[dreg:$0x1] =	wrdreg $0xFFFFFFFF  }
0xad: {  	[dreg:$0x0] =	wrdreg $0x60  }
0xae: {  	[dreg:$0x2] =	wrdreg s24  }
0xaf: {  	[dreg:$0x3] =	wrdreg s2  }
0xb0: {  	[dreg:$0x4] =	wrdreg $0xA8000  }
0xb1: {  	[dreg:$0x5] =	wrdreg $0x9  }
0xb2: {  	_ =	task.clear_ibuf [dreg:s7], $0x6FFFF;
	_ =	strace $0x9000004F  }
0xb3: {  	s29 =	simm.s32 $0x9;
	_ =	strace $0x80000051  }
0xb4: {  	_ =	swait.ge [sflag:s29], $0x1  }
0xb5: {  	[sflag:s29] =	ssyncadd.s32 $0xFFFFFFFF  }
0xb6: {  	_ =	strace $0x90000051  }
0xb7: {  	_ =	sfence  }
0xb8: {  	s30 =	sld [smem:$0x0];
	_ =	sdelay $0x2  }
0xb9: {  	s31 =	sshll.u32 s1, $0xD;
	s1 =	sshrl.u32 s1, $0x2  }
0xba: {  	s3 =	sand.u32 $0x4000, s31;
	s1 =	sadd.s32 s1, s30  }
0xbb: {  	s0 =	sor.u32 s3, s0;
	s1 =	sshll.u32 s1, $0x11  }
0xbc: {  	s0 =	sor.u32 s1, s0  }
0xbd: {  	s0 =	sadd.s32 $0x8F2B, s0  }
0xbe: {  	[sflag:s0] =	ssyncadd.remote.s32 $0x1  }
0xbf: {  	_ =	sfence.sel $0xFFFF  }
0xc0: {  	[dreg:$0x0] =	wrdreg $0xFFFFFFFF;
	(pc) =	sbr.abs _section_cstart, $3  }
0xc1: {  	[dreg:$0x1] =	wrdreg $0xFFFFFFFF  }
0xc2: {  	_ =	task.clear_ibuf [dreg:s7], $0x2FFFF;
	_ =	strace $0x9FFFFFFF  }
0xc3: {  	(tm) =	ssettm $0x7FFFFFFF  }
tec
execute0_lowered:
.L_overlay_start_1:
0x0: {  	(tag) =	ssettag $0x1  }
0x1: {  	s5 =	rddreg [dreg:$0x0]  }
0x2: {  	s11 =	rddreg [dreg:$0x1]  }
0x3: {  	s2 =	rddreg [dreg:$0x2]  }
0x4: {  	s0 =	rddreg [dreg:$0x3];
	s1 =	stileid.u32  }
0x5: {  	s4 =	srdreg.scid;
	s3 =	simm.s32 $0x0;
	s15 =	simm.s32 $0x1400  }
0x6: {  	s16 =	simm.s32 $0x80;
	s17 =	simm.s32 $0x2800;
	s18 =	simm.s32 $0x1  }
0x7: {  	s19 =	simm.s32 $0x6800;
	s20 =	simm.s32 $0x2;
	s21 =	simm.s32 $0x1480  }
0x8: {  	s22 =	simm.s32 $0x3;
	s23 =	simm.s32 $0x100;
	s6 =	smul.u32 $0x14000, s1  }
0x9: {  	s7 =	sand.u32 $0x1, s4;
	[smem:$0x7FF] =	sst s3;
	s4 =	sadd.s32 $0xD200, s5  }
0xa: {  	s12 =	sadd.s32 $0x3200, s5;
	s13 =	smul.u32 $0x50000, s1;
	s29 =	sshll.u32 s1, $0x6  }
0xb: {  	s8 =	smul.u32 $0x140000, s7;
	_ =	strace $0x80000050;
	s25 =	ssub.s32 $0x2, s7  }
0xc: {  	s7 =	sshll.u32 s7, $0x4;
	s9 =	sshrl.u32 s6, $0x3;
	s10 =	sshrl.u32 s25, $0x1  }
0xd: {  	s26 =	sor.u32 s1, s7;
	s28 =	sshrl.u32 s13, $0x2;
	s6 =	sadd.s32 s6, s8  }
0xe: {  	s24 =	sadd.s32 s9, s5;
	s9 =	ssub.s32 s25, s10;
	s30 =	smul.u32 $0x2800, s26  }
0xf: {  	s13 =	sadd.s32 s28, s2;
	s25 =	simm.s32 $0x0;
	s6 =	sshrl.u32 s6, $0x3  }
.Ltmp0:
0x10: {  	s8 =	smax.u32 s9, $0x1;
	s13 =	sshrl.u32 s13, $0x3;
	(pc) =	sbr.rel .LBB2_1-.Ltmp0, $4  }
0x11: {  	s14 =	sadd.s32 s6, s5;
	s5 =	sadd.s32 $0x35200, s24;
	s6 =	sor.u32 $0x1C05, s29  }
0x12: {  	s31 =	sshrl.u32 s30, $0x3;
	s24 =	simm.s32 $0x4;
	s7 =	sadd.s32 $0x5D200, s14  }
0x13: {  	s9 =	sadd.s32 s11, s31;
	s10 =	sadd.s32 s12, s31;
	s14 =	sadd.s32 $0x280, s31  }
0x14: {  	s11 =	sadd.s32 s11, s14;
	s12 =	sadd.s32 s12, s14;
	s14 =	simm.s32 $0x5  }
.LBB2_7:
0x15: {  	_ =	swait.ge [sflag:s24], $0x4000  }
0x16: {  	s25 =	sadd.s32 $0x1, s25;
	[sflag:s24] =	ssyncset.done $0x0  }
0x17: {  	p0 =	sne.s32 s25, s8;
	[sflag:s24] =	ssyncadd.s32 $0xFFFFC000  }
.Ltmp1:
0x18: {  	[bflag:$0x0] =	sbarrier.arrive $0xFFFF;
	(pc) =	sbr.rel @!p0 .LBB2_8-.Ltmp1, $4  }
0x19: {  	[hbm:s7], [sflag:s6] =	dma.local [spmem:s13], $0x2800  }
0x1a: {  	_ =	swait.ge [sflag:s14], $0x2800  }
0x1b: {  	[sflag:s14] =	ssyncset.done $0x0  }
0x1c: {  	[sflag:s14] =	ssyncadd.s32 $0xFFFFD800  }
.LBB2_1:
0x1d: {  	[spmem:s13], [sflag:s6] =	dma.local [hbm:s5], $0x2800  }
0x1e: {  	_ =	swait.ge [sflag:s14], $0x2800  }
0x1f: {  	[sflag:s14] =	ssyncset.done $0x0  }
0x20: {  	[sflag:s14] =	ssyncadd.s32 $0xFFFFD800  }
0x21: {  	[bflag:$0x0] =	sbarrier.arrive $0xFFFF  }
0x22: {  	[tilespmem:s3], [sflag:$0x5] =	stream.linear.gather [hbm4b:s9+s3], $0x1400, $0x38;
	[tilespmem:$0x1E800] =	vst v63  }
0x23: {  	_ =	swait.ge [sflag:s14], $0x1400  }
0x24: {  	[sflag:s14] =	ssyncset.done $0x0  }
0x25: {  	[sflag:s14] =	ssyncadd.s32 $0xFFFFEC00  }
0x26: {  	[tilespmem:s15], [sflag:$0x5] =	stream.linear.gather [hbm4b:s10+s3], $0x1400, $0x38;
	[tilespmem:$0x1E800] =	vst v63  }
0x27: {  	_ =	swait.ge [sflag:s14], $0x1400  }
0x28: {  	[sflag:s14] =	ssyncset.done $0x0  }
0x29: {  	[sflag:s14] =	ssyncadd.s32 $0xFFFFEC00  }
0x2a: {  	[tilespmem:s17], [sflag:$0x1] =	stream.indirect.gather [hbm4b:s4+s16], $0x80, s3, s16, $0xb8;
	[tilespmem:$0x1E800] =	vst v63  }
0x2b: {  	_ =	swait.ge [sflag:s18], $0x4000  }
0x2c: {  	[sflag:s18] =	ssyncset.done $0x0  }
0x2d: {  	[sflag:s18] =	ssyncadd.s32 $0xFFFFC000  }
0x2e: {  	[spmem:s2] =	stream.indirect.scatter.add.f32 [tilespmem:s17], [sflag:$0x3], $0x80, s15, s16, $0xb8;
	[tilespmem:$0x1E800] =	vst v63  }
0x2f: {  	_ = 	snop  }
0x30: {  	[tilespmem:s19], [sflag:$0x2] =	stream.indirect.gather [hbm4b:s4+s16], $0x80, s16, s16, $0xb8;
	[tilespmem:$0x1E800] =	vst v63  }
0x31: {  	_ =	swait.ge [sflag:s20], $0x4000  }
0x32: {  	[sflag:s20] =	ssyncset.done $0x0  }
0x33: {  	[sflag:s20] =	ssyncadd.s32 $0xFFFFC000  }
0x34: {  	[spmem:s2] =	stream.indirect.scatter.add.f32 [tilespmem:s19], [sflag:$0x4], $0x80, s21, s16, $0xb8;
	[tilespmem:$0x1E800] =	vst v63  }
0x35: {  	_ =	swait.ge [sflag:s22], $0x4000  }
0x36: {  	[sflag:s22] =	ssyncset.done $0x0  }
0x37: {  	s26 =	simm.s32 $0xFFFFB800;
	[sflag:s22] =	ssyncadd.s32 $0xFFFFC000  }
0x38: {  	[tilespmem:s17], [sflag:$0x1] =	stream.indirect.gather [hbm4b:s4+s16], $0x80, s23, s16, $0xb8;
	[tilespmem:$0x1E800] =	vst v63  }
.LBB2_2:
0x39: {  	_ =	swait.ge [sflag:s18], $0x4000  }
0x3a: {  	s28 =	sshra.s32 s26, $0x2;
	[sflag:s18] =	ssyncset.done $0x0  }
0x3b: {  	s29 =	sadd.s32 $0x2700, s28;
	[sflag:s18] =	ssyncadd.s32 $0xFFFFC000  }
0x3c: {  	[spmem:s2] =	stream.indirect.scatter.add.f32 [tilespmem:s17], [sflag:$0x3], $0x80, s29, s16, $0xb8;
	[tilespmem:$0x1E800] =	vst v63  }
0x3d: {  	_ =	swait.ge [sflag:s24], $0x4000  }
0x3e: {  	[sflag:s24] =	ssyncset.done $0x0  }
0x3f: {  	s30 =	sadd.s32 $0x1380, s28;
	[sflag:s24] =	ssyncadd.s32 $0xFFFFC000  }
0x40: {  	[tilespmem:s19], [sflag:$0x2] =	stream.indirect.gather [hbm4b:s4+s16], $0x80, s30, s16, $0xb8;
	[tilespmem:$0x1E800] =	vst v63  }
0x41: {  	_ =	swait.ge [sflag:s20], $0x4000  }
0x42: {  	p0 =	seq.s32 s26, $0x0;
	[sflag:s20] =	ssyncset.done $0x0  }
.Ltmp2:
0x43: {  	s31 =	sadd.s32 $0x2780, s28;
	[sflag:s20] =	ssyncadd.s32 $0xFFFFC000;
	(pc) =	sbr.rel @p0 .LBB2_4-.Ltmp2, $4  }
0x44: {  	[spmem:s2] =	stream.indirect.scatter.add.f32 [tilespmem:s19], [sflag:$0x4], $0x80, s31, s16, $0xb8;
	[tilespmem:$0x1E800] =	vst v63  }
0x45: {  	_ =	swait.ge [sflag:s22], $0x4000  }
0x46: {  	[sflag:s22] =	ssyncset.done $0x0  }
0x47: {  	[sflag:s22] =	ssyncadd.s32 $0xFFFFC000  }
.Ltmp3:
0x48: {  	(pc) =	sbr.rel .LBB2_2-.Ltmp3, $3  }
0x49: {  	_ =	sdelay $0x1  }
0x4a: {  	s28 =	sadd.s32 $0x1400, s28;
	s26 =	sadd.s32 $0x400, s26  }
0x4b: {  	[tilespmem:s17], [sflag:$0x1] =	stream.indirect.gather [hbm4b:s4+s16], $0x80, s28, s16, $0xb8;
	[tilespmem:$0x1E800] =	vst v63  }
.LBB2_4:
0x4c: {  	_ =	swait.ge [sflag:s24], $0x4000  }
0x4d: {  	[sflag:s24] =	ssyncset.done $0x0  }
0x4e: {  	[sflag:s24] =	ssyncadd.s32 $0xFFFFC000  }
0x4f: {  	[tilespmem:s3], [sflag:$0x5] =	stream.linear.gather [hbm4b:s11+s3], $0x1400, $0x38;
	[tilespmem:$0x1E800] =	vst v63  }
0x50: {  	_ =	swait.ge [sflag:s14], $0x1400  }
0x51: {  	[sflag:s14] =	ssyncset.done $0x0  }
0x52: {  	[sflag:s14] =	ssyncadd.s32 $0xFFFFEC00  }
0x53: {  	[tilespmem:s15], [sflag:$0x5] =	stream.linear.gather [hbm4b:s12+s3], $0x1400, $0x38;
	[tilespmem:$0x1E800] =	vst v63  }
0x54: {  	_ =	swait.ge [sflag:s14], $0x1400  }
0x55: {  	[sflag:s14] =	ssyncset.done $0x0  }
0x56: {  	[sflag:s14] =	ssyncadd.s32 $0xFFFFEC00  }
0x57: {  	[tilespmem:s17], [sflag:$0x1] =	stream.indirect.gather [hbm4b:s4+s16], $0x80, s3, s16, $0xb8;
	[tilespmem:$0x1E800] =	vst v63  }
0x58: {  	_ =	swait.ge [sflag:s18], $0x4000  }
0x59: {  	[sflag:s18] =	ssyncset.done $0x0  }
0x5a: {  	[sflag:s18] =	ssyncadd.s32 $0xFFFFC000  }
0x5b: {  	[spmem:s2] =	stream.indirect.scatter.add.f32 [tilespmem:s17], [sflag:$0x3], $0x80, s15, s16, $0xb8;
	[tilespmem:$0x1E800] =	vst v63  }
0x5c: {  	_ = 	snop  }
0x5d: {  	[tilespmem:s19], [sflag:$0x2] =	stream.indirect.gather [hbm4b:s4+s16], $0x80, s16, s16, $0xb8;
	[tilespmem:$0x1E800] =	vst v63  }
0x5e: {  	_ =	swait.ge [sflag:s20], $0x4000  }
0x5f: {  	[sflag:s20] =	ssyncset.done $0x0  }
0x60: {  	[sflag:s20] =	ssyncadd.s32 $0xFFFFC000  }
0x61: {  	[spmem:s2] =	stream.indirect.scatter.add.f32 [tilespmem:s19], [sflag:$0x4], $0x80, s21, s16, $0xb8;
	[tilespmem:$0x1E800] =	vst v63  }
0x62: {  	_ =	swait.ge [sflag:s22], $0x4000  }
0x63: {  	[sflag:s22] =	ssyncset.done $0x0  }
0x64: {  	s26 =	simm.s32 $0xFFFFB800;
	[sflag:s22] =	ssyncadd.s32 $0xFFFFC000  }
0x65: {  	[tilespmem:s17], [sflag:$0x1] =	stream.indirect.gather [hbm4b:s4+s16], $0x80, s23, s16, $0xb8;
	[tilespmem:$0x1E800] =	vst v63  }
.LBB2_5:
0x66: {  	_ =	swait.ge [sflag:s18], $0x4000  }
0x67: {  	s28 =	sshra.s32 s26, $0x2;
	[sflag:s18] =	ssyncset.done $0x0  }
0x68: {  	s29 =	sadd.s32 $0x2700, s28;
	[sflag:s18] =	ssyncadd.s32 $0xFFFFC000  }
0x69: {  	[spmem:s2] =	stream.indirect.scatter.add.f32 [tilespmem:s17], [sflag:$0x3], $0x80, s29, s16, $0xb8;
	[tilespmem:$0x1E800] =	vst v63  }
0x6a: {  	_ =	swait.ge [sflag:s24], $0x4000  }
0x6b: {  	[sflag:s24] =	ssyncset.done $0x0  }
0x6c: {  	s30 =	sadd.s32 $0x1380, s28;
	[sflag:s24] =	ssyncadd.s32 $0xFFFFC000  }
0x6d: {  	[tilespmem:s19], [sflag:$0x2] =	stream.indirect.gather [hbm4b:s4+s16], $0x80, s30, s16, $0xb8;
	[tilespmem:$0x1E800] =	vst v63  }
0x6e: {  	_ =	swait.ge [sflag:s20], $0x4000  }
0x6f: {  	p0 =	seq.s32 s26, $0x0;
	[sflag:s20] =	ssyncset.done $0x0  }
.Ltmp4:
0x70: {  	s31 =	sadd.s32 $0x2780, s28;
	[sflag:s20] =	ssyncadd.s32 $0xFFFFC000;
	(pc) =	sbr.rel @p0 .LBB2_7-.Ltmp4, $4  }
0x71: {  	[spmem:s2] =	stream.indirect.scatter.add.f32 [tilespmem:s19], [sflag:$0x4], $0x80, s31, s16, $0xb8;
	[tilespmem:$0x1E800] =	vst v63  }
0x72: {  	_ =	swait.ge [sflag:s22], $0x4000  }
0x73: {  	[sflag:s22] =	ssyncset.done $0x0  }
0x74: {  	[sflag:s22] =	ssyncadd.s32 $0xFFFFC000  }
.Ltmp5:
0x75: {  	(pc) =	sbr.rel .LBB2_5-.Ltmp5, $3  }
0x76: {  	_ =	sdelay $0x1  }
0x77: {  	s28 =	sadd.s32 $0x1400, s28;
	s26 =	sadd.s32 $0x400, s26  }
0x78: {  	[tilespmem:s17], [sflag:$0x1] =	stream.indirect.gather [hbm4b:s4+s16], $0x80, s28, s16, $0xb8;
	[tilespmem:$0x1E800] =	vst v63  }
.LBB2_8:
0x79: {  	_ =	sfence.sel $0x180000  }
0x7a: {  	[bflag:$0x0] =	sbarrier.arrive $0xFFFF  }
0x7b: {  	p0 =	sne.s32 s1, $0x0;
	_ =	strace $0x90000050  }
0x7c: {  	s0 =	sadd.s32 @!p0 $0x100000, s0;
	[bflag:$0x2] =	sbarrier.arrive $0xFFFF  }
0x7d: {  	[sflag:s0] =	ssyncadd.tile.s32 @!p0 $0x1;
	_ =	shalt  }
.Lfunc_end2:
_tile_overlayer_lowered:
.L_overlay_start_2:
0x7e: {  	(tag) =	ssettag $0x2  }
0x7f: {  	s0 =	rddreg [dreg:$0x0];
	s2 =	stileid.u32  }
0x80: {  	s1 =	rddreg [dreg:$0x1];
	p0 =	sne.s32 s2, $0x0  }
0x81: {  	s3 =	rddreg [dreg:$0x2];
	[bflag:$0x3] =	sbarrier.arrive $0xFFFF;
	s2 =	simm.s32 @!p0 $0x1C05  }
0x82: {  	[timem:s3], [sflag:s2] =	dma.local @!p0 [hbm:s0], s1  }
0x83: {  	s0 =	simm.s32 @!p0 $0x5  }
0x84: {  	_ =	swait.ge @!p0 [sflag:s0], s1  }
0x85: {  	s1 =	ssub.s32 @!p0 $0x0, s1;
	[sflag:s0] =	ssyncset.done @!p0 $0x0  }
0x86: {  	[sflag:s0] =	ssyncadd.s32 @!p0 s1  }
0x87: {  	[bflag:$0x3] =	sbarrier.arrive $0xFFFF  }
0x88: {  	_ =	shalt  }

// kernel: kernel.9.cloned.1.call-start
scs
__scs_entry_jumppad:
0x0: {  	(pc) =	sbr.rel $0x88, $3  }
0x1: {  	(tag) =	ssettag $0x0;
	lr =	simm.s32 $0x1  }
0x2: {  	[smem:$0x3F96] =	sst lr;
	_ =	strace $0xD0000000  }
0x3: {  	_ = 	snop  }
0x4: {  	_ = 	snop  }
0x5: {  	_ = 	snop  }
0x6: {  	_ = 	snop  }
0x7: {  	_ = 	snop  }
__scs_overlays_trampoline_lowered:
0x8: {  	[smem:$0x3FA5] =	sst s0  }
0x9: {  	[smem:$0x3FA6] =	sst s1  }
0xa: {  	[smem:$0x3FA7] =	sst s2  }
0xb: {  	[smem:$0x3FA8] =	sst s3  }
0xc: {  	[smem:$0x3FA9] =	sst s4  }
0xd: {  	[smem:$0x3FAA] =	sst s5  }
0xe: {  	[smem:$0x3FAB] =	sst s6  }
0xf: {  	[smem:$0x3FAC] =	sst s7  }
0x10: {  	[smem:$0x3FAD] =	sst s8  }
0x11: {  	[smem:$0x3FAE] =	sst s9;
	s0 =	simm.s32 @!p0 $0x0  }
0x12: {  	s1 =	sld [smem:$0x3F94];
	s0 =	simm.s32 @p0 $0x1  }
0x13: {  	[smem:$0x3FAF] =	sst s0;
	s0 =	simm.s32 @!p1 $0x0  }
0x14: {  	s2 =	sld [smem:$0x3F93];
	s0 =	simm.s32 @p1 $0x1  }
0x15: {  	[smem:$0x3FB0] =	sst s0;
	s0 =	simm.s32 @!p2 $0x0  }
0x16: {  	s3 =	sld [smem:$0x3FDB];
	s0 =	simm.s32 @p2 $0x1  }
0x17: {  	s4 =	simm.s32 $0x1BF5;
	[smem:$0x3FB2] =	sst s0  }
0x18: {  	s0 =	sld [smem:$0x3F95];
	_ =	swait.ge [sflag:s4], $0x0  }
0x19: {  	s7 =	sld [smem:$0x3F96]  }
0x1a: {  	s8 =	sadd.s32 $0xFFFFE003, lr  }
0x1b: {  	s9 =	sadd.s32 $0xFFFFFEF7, lr;
	s5 =	simm.s32 $0xFFFFFFFF;
	p2 =	slt.u32 s8, $0xFFFFF086  }
0x1c: {  	p1 =	slt.u32 s9, $0xF7A;
	s5 =	simm.s32 @!p2 $0x0  }
0x1d: {  	s5 =	simm.s32 @p1 $0x1;
	p0 =	seq.s32 s7, s2  }
0x1e: {  	s7 =	smul.u32 @!p0 $0xF7A, s2;
	p2 =	seq.s32 @!p0 s5, $0x0  }
0x1f: {  	s9 =	smul.u32 $0xF7A, s1;
	s8 =	simm.s32 @!p0 $0x1BF5;
	p2 =	por !p2, p0  }
0x20: {  	[sflag:s8] =	ssyncset.s32 @!p0 $0xFFFFF086;
	s6 =	sadd.s32 @!p0 s3, s7;
	s7 =	simm.s32 @!p0 $0x108  }
0x21: {  	s3 =	sadd.s32 s3, s9;
	s6 =	sadd.s32 @!p0 $0x88, s6;
	s7 =	simm.s32 @p2 $0x1082  }
0x22: {  	[simem:s7], [sflag:s8] =	dma.local @!p0 [hbm:s6], $0xF7A  }
0x23: {  	s9 =	sor.u32 $0xD0000000, s2;
	s6 =	simm.s32 $0x108;
	_ =	swait.ge @!p0 [sflag:s8], $0x0  }
0x24: {  	s3 =	sadd.s32 $0x88, s3;
	s6 =	simm.s32 @!p1 $0x1082;
	[sflag:s4] =	ssyncset.s32 $0xFFFFF086  }
0x25: {  	[simem:s6], [sflag:s4] =	dma.local [hbm:s3], $0xF7A  }
0x26: {  	[smem:$0x3F96] =	sst s1;
	(tag) =	ssettag s2;
	_ =	strace s9  }
0x27: {  	s1 =	sld [smem:$0x3FA6]  }
0x28: {  	s2 =	sld [smem:$0x3FA7]  }
0x29: {  	s4 =	sld [smem:$0x3FA9]  }
0x2a: {  	p0 =	seq.s32 s5, $0x0;
	s5 =	sld [smem:$0x3FAA]  }
0x2b: {  	s6 =	sld [smem:$0x3FAB]  }
0x2c: {  	s7 =	sld [smem:$0x3FAC]  }
0x2d: {  	s3 =	simm.s32 $0x108;
	s8 =	sld [smem:$0x3FAD]  }
0x2e: {  	s3 =	simm.s32 @!p0 $0x1082;
	s9 =	sld [smem:$0x3FAE]  }
0x2f: {  	lr =	sadd.s32 s0, s3;
	s0 =	sld [smem:$0x3FA5]  }
0x30: {  	s3 =	sld [smem:$0x3FA8]  }
0x31: {  	[smem:$0x3FB1] =	sst s10  }
0x32: {  	s10 =	sld [smem:$0x3FAF];
	_ =	sdelay $0x3  }
0x33: {  	p0 =	seq.s32 s10, $0x1;
	s10 =	sld [smem:$0x3FB1];
	_ =	sdelay $0x3  }
0x34: {  	[smem:$0x3FB1] =	sst s10  }
0x35: {  	s10 =	sld [smem:$0x3FB0];
	_ =	sdelay $0x3  }
0x36: {  	p1 =	seq.s32 s10, $0x1;
	s10 =	sld [smem:$0x3FB1];
	_ =	sdelay $0x3  }
0x37: {  	[smem:$0x3FB1] =	sst s10  }
0x38: {  	s10 =	sld [smem:$0x3FB2]  }
0x39: {  	_ = 	snop;
	(pc) =	sbr.ind lr, $3  }
0x3a: {  	_ = 	snop  }
0x3b: {  	_ = 	snop  }
0x3c: {  	p2 =	seq.s32 s10, $0x1;
	s10 =	sld [smem:$0x3FB1]  }
0x3d: {  	_ =	shalt  }
0x3e: {  	_ =	shalt  }
0x3f: {  	_ =	shalt  }
0x40: {  	_ =	shalt  }
0x41: {  	_ =	shalt  }
0x42: {  	_ =	shalt  }
0x43: {  	_ =	shalt  }
0x44: {  	_ =	shalt  }
0x45: {  	_ =	shalt  }
0x46: {  	_ =	shalt  }
0x47: {  	_ =	shalt  }
0x48: {  	_ =	shalt  }
0x49: {  	_ =	shalt  }
0x4a: {  	_ =	shalt  }
0x4b: {  	_ =	shalt  }
0x4c: {  	_ =	shalt  }
0x4d: {  	_ =	shalt  }
0x4e: {  	_ =	shalt  }
0x4f: {  	_ =	shalt  }
0x50: {  	_ =	shalt  }
0x51: {  	_ =	shalt  }
0x52: {  	_ =	shalt  }
0x53: {  	_ =	shalt  }
0x54: {  	_ =	shalt  }
0x55: {  	_ =	shalt  }
0x56: {  	_ =	shalt  }
0x57: {  	_ =	shalt  }
0x58: {  	_ =	shalt  }
0x59: {  	_ =	shalt  }
0x5a: {  	_ =	shalt  }
0x5b: {  	_ =	shalt  }
0x5c: {  	_ =	shalt  }
0x5d: {  	_ =	shalt  }
0x5e: {  	_ =	shalt  }
0x5f: {  	_ =	shalt  }
0x60: {  	_ =	shalt  }
0x61: {  	_ =	shalt  }
0x62: {  	_ =	shalt  }
0x63: {  	_ =	shalt  }
0x64: {  	_ =	shalt  }
0x65: {  	_ =	shalt  }
0x66: {  	_ =	shalt  }
0x67: {  	_ =	shalt  }
0x68: {  	_ =	shalt  }
0x69: {  	_ =	shalt  }
0x6a: {  	_ =	shalt  }
0x6b: {  	_ =	shalt  }
0x6c: {  	_ =	shalt  }
0x6d: {  	_ =	shalt  }
0x6e: {  	_ =	shalt  }
0x6f: {  	_ =	shalt  }
0x70: {  	_ =	shalt  }
0x71: {  	_ =	shalt  }
0x72: {  	_ =	shalt  }
0x73: {  	_ =	shalt  }
0x74: {  	_ =	shalt  }
0x75: {  	_ =	shalt  }
0x76: {  	_ =	shalt  }
0x77: {  	_ =	shalt  }
0x78: {  	_ =	shalt  }
0x79: {  	_ =	shalt  }
0x7a: {  	_ =	shalt  }
0x7b: {  	_ =	shalt  }
0x7c: {  	_ =	shalt  }
0x7d: {  	_ =	shalt  }
0x7e: {  	_ =	shalt  }
0x7f: {  	_ =	shalt  }
0x80: {  	_ =	shalt  }
0x81: {  	_ =	shalt  }
0x82: {  	_ =	shalt  }
0x83: {  	_ =	shalt  }
0x84: {  	_ =	shalt  }
0x85: {  	_ =	shalt  }
0x86: {  	_ =	shalt  }
0x87: {  	_ =	shalt  }
.Lfunc_end0:
.L_simem_size_0:
called_computation_lowered:
.L_overlay_start_0:
0x88: {  	s2 =	sld [smem:$0x3FD9]  }
0x89: {  	s3 =	sld [smem:$0x3FFE];
	_ =	sdelay $0x1  }
0x8a: {  	s1 =	srdreg.scid  }
0x8b: {  	s0 =	sand.u32 $0x1, s1  }
0x8c: {  	s17 =	sshll.u32 s0, $0xA;
	s2 =	sadd.s32 s3, s2  }
0x8d: {  	s2 =	sadd.s32 s2, s17  }
0x8e: {  	[smem:$0x3FBD] =	sst s2  }
0x8f: {  	_ = 	snop  }
0x90: {  	(tm) =	ssettm $0x1  }
0x91: {  	s18 =	sld [smem:$0x3FFB];
	_ =	sdelay $0x3  }
0x92: {  	_ =	strace s18  }
0x93: {  	s2 =	sld [smem:$0x3FFC];
	_ =	sdelay $0x3  }
0x94: {  	_ =	strace s2  }
0x95: {  	s2 =	sld [smem:$0x3FFD];
	_ =	sdelay $0x3  }
0x96: {  	_ =	strace s2  }
0x97: {  	_ =	strace $0x8FFFFFFF  }
0x98: {  	s19 =	sld [smem:$0x3FDB];
	_ =	sdelay $0x1  }
0x99: {  	s20 =	simm.s32 $_scs_section_size  }
0x9a: {  	s4 =	simm.s32 $_size__tile_overlayer_lowered;
	s5 =	simm.s32 $_tile_overlayer_lowered  }
0x9b: {  	s6 =	simm.s32 $0x1BFF;
	s21 =	sshll.u32 s5, $0x1;
	s3 =	sadd.s32 s20, s19  }
0x9c: {  	s22 =	simm.s32 $0x0;
	s4 =	sshll.u32 s4, $0x1;
	s5 =	sadd.s32 s21, s3  }
0x9d: {  	[timem:s22], [sflag:s6] =	dma.local [hbm:s5], s4  }
0x9e: {  	_ =	swait.ge [sflag:s6], s4  }
0x9f: {  	s4 =	ssub.s32 $0x0, s4;
	[sflag:s6] =	ssyncset.done $0x0  }
0xa0: {  	[sflag:s6] =	ssyncadd.s32 s4;
	_ =	sdelay $0x1  }
0xa1: {  	s23 =	simm.s32 $0x1B8B  }
0xa2: {  	_ =	swait.ge [sflag:s23], $0x1  }
0xa3: {  	[sflag:s23] =	ssyncset.done $0x0  }
0xa4: {  	[sflag:s23] =	ssyncadd.s32 $0xFFFFFFFF  }
0xa5: {  	s4 =	sld [smem:$0x0]  }
0xa6: {  	s5 =	sand.u32 $0xFFFFFFFE, s1  }
0xa7: {  	p0 =	sne.s32 s1, s5  }
0xa8: {  	s5 =	sshll.u32 @p0 s5, $0xE  }
0xa9: {  	s5 =	sadd.s32 @p0 $0x11B8D, s5;
	s6 =	sshll.u32 @p0 s4, $0x11  }
0xaa: {  	s5 =	sor.u32 @p0 s6, s5  }
0xab: {  	[sflag:s5] =	ssyncadd.remote.s32 @p0 $0x1;
	_ =	sdelay $0x1  }
0xac: {  	s5 =	simm.s32 @p0 $0x1B8D  }
0xad: {  	_ =	swait.eq @p0 [sflag:s5], $0x1  }
0xae: {  	[sflag:s5] =	ssyncadd.s32 @p0 $0xFFFFFFFF  }
0xaf: {  	s6 =	sshll.u32 @!p0 s1, $0xE  }
0xb0: {  	s6 =	sor.u32 @!p0 $0x4000, s6;
	s5 =	simm.s32 @!p0 $0x1B8D  }
0xb1: {  	s4 =	sshll.u32 @!p0 s4, $0x11;
	s6 =	sadd.s32 @!p0 $0x11B8D, s6;
	_ =	swait.eq @!p0 [sflag:s5], $0x1  }
0xb2: {  	s4 =	sor.u32 @!p0 s4, s6;
	[sflag:s5] =	ssyncadd.s32 @!p0 $0xFFFFFFFF  }
0xb3: {  	s25 =	simm.s32 $0x1B8E;
	s24 =	sld [smem:$0x3FFE];
	[sflag:s4] =	ssyncadd.remote.s32 @!p0 $0x1  }
0xb4: {  	s26 =	simm.s32 $execute0_lowered;
	[smem:$0x3FD2] =	sst s25  }
0xb5: {  	s5 =	sshll.u32 s26, $0x1;
	_ =	strace $0x80000049;
	[dreg:$0x1] =	wrdreg $0xFFFFFFFF  }
0xb6: {  	s28 =	simm.s32 $_size_execute0_lowered;
	s3 =	sadd.s32 s3, s5;
	[dreg:$0x0] =	wrdreg $0x0  }
0xb7: {  	s5 =	sshll.u32 s28, $0x1;
	[dreg:$0x2] =	wrdreg s3  }
0xb8: {  	[dreg:$0x3] =	wrdreg s5  }
0xb9: {  	[dreg:$0x4] =	wrdreg $0xC0  }
0xba: {  	_ =	task [dreg:s22], $0x5FFFF  }
0xbb: {  	[dreg:$0x1] =	wrdreg $0xFFFFFFFF  }
0xbc: {  	[dreg:$0x0] =	wrdreg $0x60  }
0xbd: {  	[dreg:$0x2] =	wrdreg s24  }
0xbe: {  	[dreg:$0x3] =	wrdreg $0x68000  }
0xbf: {  	[dreg:$0x4] =	wrdreg $0x9  }
0xc0: {  	_ =	task.clear_ibuf [dreg:s22], $0x5FFFF;
	_ =	strace $0x90000049  }
0xc1: {  	s29 =	simm.s32 $0x9;
	_ =	strace $0x8000004B  }
0xc2: {  	_ =	swait.ge [sflag:s29], $0x1  }
0xc3: {  	[sflag:s29] =	ssyncadd.s32 $0xFFFFFFFF  }
0xc4: {  	_ =	strace $0x9000004B  }
0xc5: {  	_ =	sfence  }
0xc6: {  	s30 =	sld [smem:$0x0];
	_ =	sdelay $0x2  }
0xc7: {  	s31 =	sshll.u32 s1, $0xD;
	s1 =	sshrl.u32 s1, $0x2  }
0xc8: {  	s4 =	sand.u32 $0x4000, s31;
	s1 =	sadd.s32 s1, s30  }
0xc9: {  	s0 =	sor.u32 s4, s0;
	s1 =	sshll.u32 s1, $0x11  }
0xca: {  	s0 =	sor.u32 s1, s0  }
0xcb: {  	s0 =	sadd.s32 $0x8F2B, s0  }
0xcc: {  	[sflag:s0] =	ssyncadd.remote.s32 $0x1  }
0xcd: {  	_ =	sfence.sel $0xFFFF  }
0xce: {  	[dreg:$0x0] =	wrdreg $0xFFFFFFFF;
	(pc) =	sbr.abs _section_cstart, $3  }
0xcf: {  	[dreg:$0x1] =	wrdreg $0xFFFFFFFF  }
0xd0: {  	_ =	task.clear_ibuf [dreg:s22], $0x2FFFF;
	_ =	strace $0x9FFFFFFF  }
0xd1: {  	(tm) =	ssettm $0x7FFFFFFF  }
tec
execute0_lowered:
.L_overlay_start_1:
0x0: {  	(tag) =	ssettag $0x1  }
0x1: {  	s6 =	rddreg [dreg:$0x0]  }
0x2: {  	s0 =	srdreg.scid;
	s2 =	rddreg [dreg:$0x1]  }
0x3: {  	s3 =	simm.s32 $0x0;
	s5 =	sand.u32 $0x1, s0;
	s0 =	stileid.u32  }
0x4: {  	s13 =	simm.s32 $0x80;
	s14 =	simm.s32 $0x1;
	s7 =	smul.u32 $0x14000, s0  }
0x5: {  	s15 =	simm.s32 $0x0;
	[smem:$0x7FF] =	sst s3;
	s8 =	smul.u32 $0x140000, s5  }
0x6: {  	s1 =	sshll.u32 s5, $0x4;
	s5 =	ssub.s32 $0x2, s5;
	s28 =	smul.u32 $0x50000, s0  }
0x7: {  	s31 =	sshll.u32 s0, $0x6;
	s1 =	sor.u32 s0, s1;
	s29 =	sshrl.u32 s5, $0x1  }
0x8: {  	s4 =	smul.u32 $0x500, s1;
	s1 =	rddreg [dreg:$0x2];
	_ =	strace $0x8000004A  }
0x9: {  	s10 =	sshrl.u32 s7, $0x3;
	s7 =	sadd.s32 s7, s8;
	s11 =	ssub.s32 s5, s29  }
0xa: {  	s30 =	sshrl.u32 s28, $0x2;
	s7 =	sshrl.u32 s7, $0x3;
	s10 =	sadd.s32 s10, s6  }
0xb: {  	s12 =	sadd.s32 s30, s2;
	s8 =	smax.u32 s11, $0x1;
	s9 =	sadd.s32 s4, s6  }
0xc: {  	s4 =	sadd.s32 $0xAD200, s6;
	s7 =	sadd.s32 s7, s6;
	s6 =	sadd.s32 $0x35200, s10  }
0xd: {  	s10 =	sor.u32 $0x1C02, s31;
	s11 =	sshrl.u32 s12, $0x3;
	s12 =	simm.s32 $0x2800  }
0xe: {  	s5 =	sadd.s32 $0x3200, s9;
	s7 =	sadd.s32 $0xADA00, s7;
	s9 =	simm.s32 $0x2  }
.LBB2_1:
0xf: {  	[tilespmem:s3], [sflag:$0x2] =	stream.linear.gather [hbm4b:s5+s3], $0x2800, $0x38;
	[tilespmem:$0x1A800] =	vst v63  }
0x10: {  	_ =	swait.ge [sflag:s9], $0x2800  }
0x11: {  	[sflag:s9] =	ssyncset.done $0x0  }
0x12: {  	[sflag:s9] =	ssyncadd.s32 $0xFFFFD800  }
0x13: {  	[spmem:s11], [sflag:s10] =	dma.local [hbm:s6], $0x2800  }
0x14: {  	_ =	swait.ge [sflag:s9], $0x2800  }
0x15: {  	[sflag:s9] =	ssyncset.done $0x0  }
0x16: {  	[sflag:s9] =	ssyncadd.s32 $0xFFFFD800  }
0x17: {  	[tilespmem:s12], [sflag:$0x2] =	stream.linear.gather [hbm4b:s4+s3], $0x4000, $0x38;
	[tilespmem:$0x1A800] =	vst v63  }
0x18: {  	_ =	swait.ge [sflag:s9], $0x4000  }
0x19: {  	[sflag:s9] =	ssyncset.done $0x0  }
0x1a: {  	[sflag:s9] =	ssyncadd.s32 $0xFFFFC000  }
0x1b: {  	[bflag:$0x0] =	sbarrier.arrive $0xFFFF  }
0x1c: {  	[spmem:s2] =	stream.indirect.scatter.add.f32 [tilespmem:s12], [sflag:$0x1], $0x80, s3, s13, $0xb8;
	[tilespmem:$0x1A800] =	vst v63  }
0x1d: {  	s16 =	simm.s32 $0x80  }
0x1e: {  	[spmem:s2] =	stream.indirect.scatter.add.f32 [tilespmem:s12], [sflag:$0x1], $0x80, s16, s13, $0xb8;
	[tilespmem:$0x1A800] =	vst v63  }
0x1f: {  	_ =	swait.ge [sflag:s14], $0x4000  }
0x20: {  	s16 =	simm.s32 $0x400;
	[sflag:s14] =	ssyncset.done $0x0  }
.LBB2_2:
0x21: {  	s17 =	sshra.s32 s16, $0x2;
	[sflag:s14] =	ssyncadd.s32 $0xFFFFC000;
	p0 =	sne.s32 s16, $0x9E00  }
0x22: {  	[spmem:s2] =	stream.indirect.scatter.add.f32 [tilespmem:s12], [sflag:$0x1], $0x80, s17, s13, $0xb8;
	[tilespmem:$0x1A800] =	vst v63  }
.Ltmp0:
0x23: {  	_ = 	snop;
	(pc) =	sbr.rel @p0 .LBB2_2-.Ltmp0, $4  }
0x24: {  	_ = 	snop  }
0x25: {  	s16 =	sadd.s32 $0x200, s16  }
0x26: {  	_ =	swait.ge [sflag:s14], $0x4000  }
0x27: {  	[sflag:s14] =	ssyncset.done $0x0  }
0x28: {  	[sflag:s14] =	ssyncadd.s32 $0xFFFFC000  }
0x29: {  	_ =	swait.ge [sflag:s14], $0x4000  }
0x2a: {  	s15 =	sadd.s32 $0x1, s15;
	[sflag:s14] =	ssyncset.done $0x0  }
0x2b: {  	p0 =	sne.s32 s15, s8;
	[sflag:s14] =	ssyncadd.s32 $0xFFFFC000  }
.Ltmp1:
0x2c: {  	[bflag:$0x0] =	sbarrier.arrive $0xFFFF;
	(pc) =	sbr.rel @p0 .LBB2_1-.Ltmp1, $4  }
0x2d: {  	[hbm:s7], [sflag:s10] =	dma.local [spmem:s11], $0x2800  }
0x2e: {  	_ =	swait.ge [sflag:s9], $0x2800  }
0x2f: {  	[sflag:s9] =	ssyncset.done $0x0  }
0x30: {  	[sflag:s9] =	ssyncadd.s32 $0xFFFFD800  }
0x31: {  	_ =	sfence.sel $0x180000  }
0x32: {  	[bflag:$0x0] =	sbarrier.arrive $0xFFFF  }
0x33: {  	p0 =	sne.s32 s0, $0x0;
	_ =	strace $0x9000004A  }
0x34: {  	s0 =	sadd.s32 @!p0 $0x100000, s1;
	[bflag:$0x2] =	sbarrier.arrive $0xFFFF  }
0x35: {  	[sflag:s0] =	ssyncadd.tile.s32 @!p0 $0x1;
	_ =	shalt  }
.Lfunc_end2:
_tile_overlayer_lowered:
.L_overlay_start_2:
0x36: {  	(tag) =	ssettag $0x2  }
0x37: {  	s0 =	rddreg [dreg:$0x0];
	s2 =	stileid.u32  }
0x38: {  	s1 =	rddreg [dreg:$0x1];
	p0 =	sne.s32 s2, $0x0  }
0x39: {  	s3 =	rddreg [dreg:$0x2];
	[bflag:$0x3] =	sbarrier.arrive $0xFFFF;
	s2 =	simm.s32 @!p0 $0x1C02  }
0x3a: {  	[timem:s3], [sflag:s2] =	dma.local @!p0 [hbm:s0], s1  }
0x3b: {  	s0 =	simm.s32 @!p0 $0x2  }
0x3c: {  	_ =	swait.ge @!p0 [sflag:s0], s1  }
0x3d: {  	s1 =	ssub.s32 @!p0 $0x0, s1;
	[sflag:s0] =	ssyncset.done @!p0 $0x0  }
0x3e: {  	[sflag:s0] =	ssyncadd.s32 @!p0 s1  }
0x3f: {  	[bflag:$0x3] =	sbarrier.arrive $0xFFFF  }
0x40: {  	_ =	shalt  }

</sc_bundles>
